<compile_context>
chip_gen: v7x
topology: tpu7x:2x2x1
jax: 0.10.2.dev20260603
libtpu: 0.0.44.dev20260713+nightly
codegen_flags: <defaults>
</compile_context>

<pallas_src>
import functools

import jax
import jax.numpy as jnp
from jax import lax
from jax.experimental import pallas as pl
from jax.experimental.pallas import tpu as pltpu
from jax.experimental.pallas import tpu_sc as plsc

NUM_ROWS = 100000
DIM = 128
N_OUTER = 16384
N_INNER = 100
B_TOTAL = N_OUTER * N_INNER

_info = plsc.get_sparse_core_info()
NC = _info.num_cores
NS = _info.num_subcores
NW = NC * NS
OUTER_PER_W = N_OUTER // NW
B_PER_W = B_TOTAL // NW
CHUNK = 128
CPR = OUTER_PER_W // CHUNK
N_CHUNKS = B_PER_W // CHUNK
NBUF = 6
LOOKAHEAD = CPR
NIDX = 3


def _make_gather():
    mesh = plsc.VectorSubcoreMesh(core_axis_name="c", subcore_axis_name="s")

    @functools.partial(
        pl.kernel,
        mesh=mesh,
        out_type=jax.ShapeDtypeStruct((B_TOTAL, DIM), jnp.float32),
        scratch_types=[
            pltpu.VMEM((NIDX, OUTER_PER_W), jnp.int32),
            pltpu.VMEM((NBUF, CHUNK, DIM), jnp.float32),
            pltpu.SemaphoreType.DMA,
            pltpu.SemaphoreType.DMA,
            pltpu.SemaphoreType.DMA,
        ],
    )
    def gather_kernel(idx_hbm, table_hbm, out_hbm, idx_v, rows_v, isem, gsem, wsem):
        wid = lax.axis_index("s") * NC + lax.axis_index("c")
        out_base = wid * OUTER_PER_W

        def start_stage(j):
            pltpu.async_copy(idx_hbm.at[j, wid], idx_v.at[j % NIDX], isem)

        def wait_stage(j):
            pltpu.make_async_copy(
                idx_hbm.at[j, wid], idx_v.at[j % NIDX], isem
            ).wait()

        def gather_desc(g):
            j = g // CPR
            c = g % CPR
            return pltpu.make_async_copy(
                table_hbm.at[idx_v.at[j % NIDX, pl.ds(c * CHUNK, CHUNK)]],
                rows_v.at[g % NBUF],
                gsem,
            )

        def write_desc(g):
            j = g // CPR
            c = g % CPR
            return pltpu.make_async_copy(
                rows_v.at[g % NBUF],
                out_hbm.at[pl.ds(j * N_OUTER + out_base + c * CHUNK, CHUNK)],
                wsem,
            )

        start_stage(0)
        start_stage(1)
        wait_stage(0)
        for g in range(LOOKAHEAD):
            gather_desc(g).start()

        def body(g, carry):
            j = g // CPR
            c = g % CPR

            @pl.when(c == 0)
            def _():
                @pl.when(j + 1 < N_INNER)
                def _():
                    wait_stage(j + 1)

                @pl.when(j + 2 < N_INNER)
                def _():
                    start_stage(j + 2)

            @pl.when(g >= NBUF - LOOKAHEAD)
            def _():
                write_desc(g - (NBUF - LOOKAHEAD)).wait()

            @pl.when(g + LOOKAHEAD < N_CHUNKS)
            def _():
                gather_desc(g + LOOKAHEAD).start()

            gather_desc(g).wait()
            write_desc(g).start()
            return carry

        lax.fori_loop(0, N_CHUNKS, body, 0)

        def drain(g, carry):
            write_desc(g).wait()
            return carry

        lax.fori_loop(N_CHUNKS - (NBUF - LOOKAHEAD), N_CHUNKS, drain, 0)

    return gather_kernel


_gather = _make_gather()


@jax.jit
def kernel(indices, embedding):
    indices = indices.astype(jnp.int32)
    idx = indices.T.reshape(N_INNER, NW, OUTER_PER_W)
    out = _gather(idx, embedding)
    return out.reshape(N_INNER, N_OUTER, DIM).transpose(1, 0, 2)

# --- scband reference (transcript-rebuilt; emitter-appended) ---
"""Pipeline reference for scband-hyperbolic-embedding-81003083203558 (READ-ONLY COPY).

The authoritative reference and input builder live on the scoring server;
editing this copy changes nothing except your own understanding.
"""

import jax, jax.numpy as jnp
import numpy as np

NUM_EMBEDDINGS = 100000
EMBEDDING_DIM = 128

def setup_inputs(seed: int = 0) -> dict:
    key = jax.random.key(seed)
    k1, k2 = jax.random.split(key)
    indices = jax.random.randint(k1, (16384, 100), 0, NUM_EMBEDDINGS, dtype=jnp.int64 if jax.config.jax_enable_x64 else jnp.int32)
    embedding = jax.random.normal(k2, (NUM_EMBEDDINGS, EMBEDDING_DIM), dtype=jnp.float32) * 0.001
    return {"indices": indices, "embedding": embedding}

def reference(indices, embedding):
    # HyperbolicEmbedding.forward: pure gather from the manifold parameter table.
    # The PoincareBall manifold only affects optimization (Riemannian updates),
    # not the forward lookup, so forward == embedding[indices].
    return jnp.take(embedding, indices, axis=0)

if __name__ == "__main__":
    import jax
    _d = setup_inputs()
    print(jax.jit(kernel)(*tuple(_d.values())))

</pallas_src>

<mosaic_0001>
#map = affine_map<(d0, d1) -> (0, 0, 0)>
#map1 = affine_map<(d0, d1) -> (0, 0)>
module attributes {stable_mosaic.version = 14 : i64} {
  func.func @gather_kernel(%arg0: i32, %arg1: i32, %arg2: memref<100x32x512xi32, #tpu.memory_space<hbm>>, %arg3: memref<100000x128xf32, #tpu.memory_space<hbm>>, %arg4: memref<1638400x128xf32, #tpu.memory_space<hbm>>, %arg5: memref<3x512xi32, #tpu.memory_space<vmem>>, %arg6: memref<6x128x128xf32, #tpu.memory_space<vmem>>, %arg7: memref<!tpu.dma_semaphore, #tpu.memory_space<semaphore_mem>>, %arg8: memref<!tpu.dma_semaphore, #tpu.memory_space<semaphore_mem>>, %arg9: memref<!tpu.dma_semaphore, #tpu.memory_space<semaphore_mem>>) attributes {dimension_semantics = [#tpu.dimension_semantics<core_parallel>, #tpu.dimension_semantics<subcore_parallel>], iteration_bounds = array<i64: 2, 16>, scalar_prefetch = 0 : i64, scratch_operands = 5 : i64, tpu.core_type = #tpu.core_type<sc_vector_subcore>, window_params = [{transform_indices = #map}, {transform_indices = #map1}, {transform_indices = #map1}]} {
    %mul3A = arith.constant 2 : i32
    %mul3A_0 = arith.muli %arg1, %mul3A : i32
    %add3A = arith.addi %mul3A_0, %arg0 : i32
    %mul3A_1 = arith.constant 512 : i32
    %mul3A_2 = arith.muli %add3A, %mul3A_1 : i32
    %dma_start3A = arith.constant 0 : i32
    %dma_start3A_3 = arith.constant 0 : i32
    %dma_start3A_4 = arith.constant 0 : i32
    %dma_start3A_5 = tpu.memref_slice %arg5[%dma_start3A_3, %dma_start3A_4] : memref<3x512xi32, #tpu.memory_space<vmem>> -> memref<1x512xi32, #tpu.memory_space<vmem>>
    %dma_start3A_6 = tpu.memref_squeeze %dma_start3A_5 : memref<1x512xi32, #tpu.memory_space<vmem>> -> memref<512xi32, #tpu.memory_space<vmem>>
    %dma_start3A_7 = arith.constant 0 : i32
    %dma_start3A_8 = tpu.memref_slice %arg2[%dma_start3A, %add3A, %dma_start3A_7] : memref<100x32x512xi32, #tpu.memory_space<hbm>> -> memref<1x1x512xi32, #tpu.memory_space<hbm>>
    %dma_start3A_9 = tpu.memref_squeeze %dma_start3A_8 : memref<1x1x512xi32, #tpu.memory_space<hbm>> -> memref<512xi32, #tpu.memory_space<hbm>>
    %dma_start3A_10 = arith.constant 0 : i32
    %dma_start3A_11 = tpu.memref_slice %arg5[%dma_start3A_3, %dma_start3A_10] : memref<3x512xi32, #tpu.memory_space<vmem>> -> memref<1x512xi32, #tpu.memory_space<vmem>>
    %dma_start3A_12 = tpu.memref_squeeze %dma_start3A_11 : memref<1x512xi32, #tpu.memory_space<vmem>> -> memref<512xi32, #tpu.memory_space<vmem>>
    %dma_start3A_13 = arith.constant 0 : i32
    %dma_start3A_14 = tpu.memref_slice %arg2[%dma_start3A, %add3A, %dma_start3A_13] : memref<100x32x512xi32, #tpu.memory_space<hbm>> -> memref<1x1x512xi32, #tpu.memory_space<hbm>>
    %dma_start3A_15 = tpu.memref_squeeze %dma_start3A_14 : memref<1x1x512xi32, #tpu.memory_space<hbm>> -> memref<512xi32, #tpu.memory_space<hbm>>
    tpu.enqueue_dma source(%dma_start3A_15 : memref<512xi32, #tpu.memory_space<hbm>>) target(%dma_start3A_12 : memref<512xi32, #tpu.memory_space<vmem>>) target_semaphore(%arg7 : memref<!tpu.dma_semaphore, #tpu.memory_space<semaphore_mem>>)
    %dma_start3A_16 = arith.constant 1 : i32
    %dma_start3A_17 = arith.constant 1 : i32
    %dma_start3A_18 = arith.constant 0 : i32
    %dma_start3A_19 = tpu.memref_slice %arg5[%dma_start3A_17, %dma_start3A_18] : memref<3x512xi32, #tpu.memory_space<vmem>> -> memref<1x512xi32, #tpu.memory_space<vmem>>
    %dma_start3A_20 = tpu.memref_squeeze %dma_start3A_19 : memref<1x512xi32, #tpu.memory_space<vmem>> -> memref<512xi32, #tpu.memory_space<vmem>>
    %dma_start3A_21 = arith.constant 0 : i32
    %dma_start3A_22 = tpu.memref_slice %arg2[%dma_start3A_16, %add3A, %dma_start3A_21] : memref<100x32x512xi32, #tpu.memory_space<hbm>> -> memref<1x1x512xi32, #tpu.memory_space<hbm>>
    %dma_start3A_23 = tpu.memref_squeeze %dma_start3A_22 : memref<1x1x512xi32, #tpu.memory_space<hbm>> -> memref<512xi32, #tpu.memory_space<hbm>>
    %dma_start3A_24 = arith.constant 0 : i32
    %dma_start3A_25 = tpu.memref_slice %arg5[%dma_start3A_17, %dma_start3A_24] : memref<3x512xi32, #tpu.memory_space<vmem>> -> memref<1x512xi32, #tpu.memory_space<vmem>>
    %dma_start3A_26 = tpu.memref_squeeze %dma_start3A_25 : memref<1x512xi32, #tpu.memory_space<vmem>> -> memref<512xi32, #tpu.memory_space<vmem>>
    %dma_start3A_27 = arith.constant 0 : i32
    %dma_start3A_28 = tpu.memref_slice %arg2[%dma_start3A_16, %add3A, %dma_start3A_27] : memref<100x32x512xi32, #tpu.memory_space<hbm>> -> memref<1x1x512xi32, #tpu.memory_space<hbm>>
    %dma_start3A_29 = tpu.memref_squeeze %dma_start3A_28 : memref<1x1x512xi32, #tpu.memory_space<hbm>> -> memref<512xi32, #tpu.memory_space<hbm>>
    tpu.enqueue_dma source(%dma_start3A_29 : memref<512xi32, #tpu.memory_space<hbm>>) target(%dma_start3A_26 : memref<512xi32, #tpu.memory_space<vmem>>) target_semaphore(%arg7 : memref<!tpu.dma_semaphore, #tpu.memory_space<semaphore_mem>>)
    %dma_wait3A = arith.constant 0 : i32
    %dma_wait3A_30 = arith.constant 0 : i32
    %dma_wait3A_31 = arith.constant 0 : i32
    %dma_wait3A_32 = tpu.memref_slice %arg5[%dma_wait3A_30, %dma_wait3A_31] : memref<3x512xi32, #tpu.memory_space<vmem>> -> memref<1x512xi32, #tpu.memory_space<vmem>>
    %dma_wait3A_33 = tpu.memref_squeeze %dma_wait3A_32 : memref<1x512xi32, #tpu.memory_space<vmem>> -> memref<512xi32, #tpu.memory_space<vmem>>
    %dma_wait3A_34 = arith.constant 0 : i32
    %dma_wait3A_35 = tpu.memref_slice %arg2[%dma_wait3A, %add3A, %dma_wait3A_34] : memref<100x32x512xi32, #tpu.memory_space<hbm>> -> memref<1x1x512xi32, #tpu.memory_space<hbm>>
    %dma_wait3A_36 = tpu.memref_squeeze %dma_wait3A_35 : memref<1x1x512xi32, #tpu.memory_space<hbm>> -> memref<512xi32, #tpu.memory_space<hbm>>
    %dma_wait3A_37 = arith.constant 0 : i32
    %dma_wait3A_38 = tpu.memref_slice %arg5[%dma_wait3A_30, %dma_wait3A_37] : memref<3x512xi32, #tpu.memory_space<vmem>> -> memref<1x512xi32, #tpu.memory_space<vmem>>
    %dma_wait3A_39 = tpu.memref_squeeze %dma_wait3A_38 : memref<1x512xi32, #tpu.memory_space<vmem>> -> memref<512xi32, #tpu.memory_space<vmem>>
    %dma_wait3A_40 = arith.constant 0 : i32
    %dma_wait3A_41 = tpu.memref_slice %arg2[%dma_wait3A, %add3A, %dma_wait3A_40] : memref<100x32x512xi32, #tpu.memory_space<hbm>> -> memref<1x1x512xi32, #tpu.memory_space<hbm>>
    %dma_wait3A_42 = tpu.memref_squeeze %dma_wait3A_41 : memref<1x1x512xi32, #tpu.memory_space<hbm>> -> memref<512xi32, #tpu.memory_space<hbm>>
    tpu.wait_dma2 semaphore(%arg7 : memref<!tpu.dma_semaphore, #tpu.memory_space<semaphore_mem>>) src(%dma_wait3A_42 : memref<512xi32, #tpu.memory_space<hbm>>) dst(%dma_wait3A_39 : memref<512xi32, #tpu.memory_space<vmem>>)
    %dma_start3A_43 = arith.constant 0 : i32
    %dma_start3A_44 = arith.constant 0 : i32
    %dma_start3A_45 = arith.constant 0 : i32
    %dma_start3A_46 = arith.constant 0 : i32
    %dma_start3A_47 = tpu.memref_slice %arg6[%dma_start3A_44, %dma_start3A_45, %dma_start3A_46] : memref<6x128x128xf32, #tpu.memory_space<vmem>> -> memref<1x128x128xf32, #tpu.memory_space<vmem>>
    %dma_start3A_48 = tpu.memref_squeeze %dma_start3A_47 : memref<1x128x128xf32, #tpu.memory_space<vmem>> -> memref<128x128xf32, #tpu.memory_space<vmem>>
    %dma_start3A_49 = arith.constant 0 : i32
    %dma_start3A_50 = tpu.memref_slice %arg5[%dma_start3A_43, %dma_start3A_49] : memref<3x512xi32, #tpu.memory_space<vmem>> -> memref<1x128xi32, #tpu.memory_space<vmem>>
    %dma_start3A_51 = tpu.memref_squeeze %dma_start3A_50 : memref<1x128xi32, #tpu.memory_space<vmem>> -> memref<128xi32, #tpu.memory_space<vmem>>
    %dma_start3A_52 = arith.constant 0 : i32
    %dma_start3A_53 = arith.constant 0 : i32
    %dma_start3A_54 = tpu.memref_slice %arg3[%dma_start3A_52, %dma_start3A_53] : memref<100000x128xf32, #tpu.memory_space<hbm>> -> memref<100000x128xf32, #tpu.memory_space<hbm>>
    tpu.enqueue_indirect_dma source(%dma_start3A_54 : memref<100000x128xf32, #tpu.memory_space<hbm>>) target(%dma_start3A_48 : memref<128x128xf32, #tpu.memory_space<vmem>>) offsets(%dma_start3A_51 : memref<128xi32, #tpu.memory_space<vmem>>) semaphore(%arg8 : memref<!tpu.dma_semaphore, #tpu.memory_space<semaphore_mem>>)
    %dma_start3A_55 = arith.constant 0 : i32
    %dma_start3A_56 = arith.constant 1 : i32
    %dma_start3A_57 = arith.constant 0 : i32
    %dma_start3A_58 = arith.constant 0 : i32
    %dma_start3A_59 = tpu.memref_slice %arg6[%dma_start3A_56, %dma_start3A_57, %dma_start3A_58] : memref<6x128x128xf32, #tpu.memory_space<vmem>> -> memref<1x128x128xf32, #tpu.memory_space<vmem>>
    %dma_start3A_60 = tpu.memref_squeeze %dma_start3A_59 : memref<1x128x128xf32, #tpu.memory_space<vmem>> -> memref<128x128xf32, #tpu.memory_space<vmem>>
    %dma_start3A_61 = arith.constant 128 : i32
    %dma_start3A_62 = tpu.memref_slice %arg5[%dma_start3A_55, %dma_start3A_61] : memref<3x512xi32, #tpu.memory_space<vmem>> -> memref<1x128xi32, #tpu.memory_space<vmem>>
    %dma_start3A_63 = tpu.memref_squeeze %dma_start3A_62 : memref<1x128xi32, #tpu.memory_space<vmem>> -> memref<128xi32, #tpu.memory_space<vmem>>
    %dma_start3A_64 = arith.constant 0 : i32
    %dma_start3A_65 = arith.constant 0 : i32
    %dma_start3A_66 = tpu.memref_slice %arg3[%dma_start3A_64, %dma_start3A_65] : memref<100000x128xf32, #tpu.memory_space<hbm>> -> memref<100000x128xf32, #tpu.memory_space<hbm>>
    tpu.enqueue_indirect_dma source(%dma_start3A_66 : memref<100000x128xf32, #tpu.memory_space<hbm>>) target(%dma_start3A_60 : memref<128x128xf32, #tpu.memory_space<vmem>>) offsets(%dma_start3A_63 : memref<128xi32, #tpu.memory_space<vmem>>) semaphore(%arg8 : memref<!tpu.dma_semaphore, #tpu.memory_space<semaphore_mem>>)
    %dma_start3A_67 = arith.constant 0 : i32
    %dma_start3A_68 = arith.constant 2 : i32
    %dma_start3A_69 = arith.constant 0 : i32
    %dma_start3A_70 = arith.constant 0 : i32
    %dma_start3A_71 = tpu.memref_slice %arg6[%dma_start3A_68, %dma_start3A_69, %dma_start3A_70] : memref<6x128x128xf32, #tpu.memory_space<vmem>> -> memref<1x128x128xf32, #tpu.memory_space<vmem>>
    %dma_start3A_72 = tpu.memref_squeeze %dma_start3A_71 : memref<1x128x128xf32, #tpu.memory_space<vmem>> -> memref<128x128xf32, #tpu.memory_space<vmem>>
    %dma_start3A_73 = arith.constant 256 : i32
    %dma_start3A_74 = tpu.memref_slice %arg5[%dma_start3A_67, %dma_start3A_73] : memref<3x512xi32, #tpu.memory_space<vmem>> -> memref<1x128xi32, #tpu.memory_space<vmem>>
    %dma_start3A_75 = tpu.memref_squeeze %dma_start3A_74 : memref<1x128xi32, #tpu.memory_space<vmem>> -> memref<128xi32, #tpu.memory_space<vmem>>
    %dma_start3A_76 = arith.constant 0 : i32
    %dma_start3A_77 = arith.constant 0 : i32
    %dma_start3A_78 = tpu.memref_slice %arg3[%dma_start3A_76, %dma_start3A_77] : memref<100000x128xf32, #tpu.memory_space<hbm>> -> memref<100000x128xf32, #tpu.memory_space<hbm>>
    tpu.enqueue_indirect_dma source(%dma_start3A_78 : memref<100000x128xf32, #tpu.memory_space<hbm>>) target(%dma_start3A_72 : memref<128x128xf32, #tpu.memory_space<vmem>>) offsets(%dma_start3A_75 : memref<128xi32, #tpu.memory_space<vmem>>) semaphore(%arg8 : memref<!tpu.dma_semaphore, #tpu.memory_space<semaphore_mem>>)
    %dma_start3A_79 = arith.constant 0 : i32
    %dma_start3A_80 = arith.constant 3 : i32
    %dma_start3A_81 = arith.constant 0 : i32
    %dma_start3A_82 = arith.constant 0 : i32
    %dma_start3A_83 = tpu.memref_slice %arg6[%dma_start3A_80, %dma_start3A_81, %dma_start3A_82] : memref<6x128x128xf32, #tpu.memory_space<vmem>> -> memref<1x128x128xf32, #tpu.memory_space<vmem>>
    %dma_start3A_84 = tpu.memref_squeeze %dma_start3A_83 : memref<1x128x128xf32, #tpu.memory_space<vmem>> -> memref<128x128xf32, #tpu.memory_space<vmem>>
    %dma_start3A_85 = arith.constant 384 : i32
    %dma_start3A_86 = tpu.memref_slice %arg5[%dma_start3A_79, %dma_start3A_85] : memref<3x512xi32, #tpu.memory_space<vmem>> -> memref<1x128xi32, #tpu.memory_space<vmem>>
    %dma_start3A_87 = tpu.memref_squeeze %dma_start3A_86 : memref<1x128xi32, #tpu.memory_space<vmem>> -> memref<128xi32, #tpu.memory_space<vmem>>
    %dma_start3A_88 = arith.constant 0 : i32
    %dma_start3A_89 = arith.constant 0 : i32
    %dma_start3A_90 = tpu.memref_slice %arg3[%dma_start3A_88, %dma_start3A_89] : memref<100000x128xf32, #tpu.memory_space<hbm>> -> memref<100000x128xf32, #tpu.memory_space<hbm>>
    tpu.enqueue_indirect_dma source(%dma_start3A_90 : memref<100000x128xf32, #tpu.memory_space<hbm>>) target(%dma_start3A_84 : memref<128x128xf32, #tpu.memory_space<vmem>>) offsets(%dma_start3A_87 : memref<128xi32, #tpu.memory_space<vmem>>) semaphore(%arg8 : memref<!tpu.dma_semaphore, #tpu.memory_space<semaphore_mem>>)
    %scan3A = arith.constant 0 : i32
    %scan3A_91 = arith.constant 0 : i32
    %scan3A_92 = arith.constant 400 : i32
    %scan3A_93 = arith.addi %scan3A_91, %scan3A_92 : i32
    %scan3A_94 = arith.constant 1 : i32
    scf.for %scan3A_102 = %scan3A_91 to %scan3A_93 step %scan3A_94  : i32 {
      %jit3A = arith.constant 4 : i32
      %div3A = arith.divsi %scan3A_102, %jit3A : i32
      %sign3A = arith.constant 0 : i32
      %sign3A_103 = arith.cmpi sgt, %scan3A_102, %sign3A : i32
      %sign3A_104 = arith.extui %sign3A_103 : i1 to i32
      %sign3A_105 = arith.constant 0 : i32
      %sign3A_106 = arith.cmpi slt, %scan3A_102, %sign3A_105 : i32
      %sign3A_107 = arith.extui %sign3A_106 : i1 to i32
      %sign3A_108 = arith.subi %sign3A_104, %sign3A_107 : i32
      %sign3A_109 = arith.constant 0 : i32
      %sign3A_110 = arith.cmpi sgt, %jit3A, %sign3A_109 : i32
      %sign3A_111 = arith.extui %sign3A_110 : i1 to i32
      %sign3A_112 = arith.constant 0 : i32
      %sign3A_113 = arith.cmpi slt, %jit3A, %sign3A_112 : i32
      %sign3A_114 = arith.extui %sign3A_113 : i1 to i32
      %sign3A_115 = arith.subi %sign3A_111, %sign3A_114 : i32
      %ne3A = arith.cmpi ne, %sign3A_108, %sign3A_115 : i32
      %rem3A = arith.remsi %scan3A_102, %jit3A : i32
      %ne3A_116 = arith.constant 0 : i32
      %ne3A_117 = arith.cmpi ne, %rem3A, %ne3A_116 : i32
      %and3A = arith.andi %ne3A, %ne3A_117 : i1
      %sub3A = arith.constant 1 : i32
      %sub3A_118 = arith.subi %div3A, %sub3A : i32
      %select_n3A = arith.select %and3A, %sub3A_118, %div3A : i32
      %jit3A_119 = arith.constant 4 : i32
      %eq3A = arith.constant 0 : i32
      %eq3A_120 = arith.cmpi eq, %jit3A_119, %eq3A : i32
      %jit3A_121 = arith.constant 1 : i32
      %select_n3A_122 = arith.select %eq3A_120, %jit3A_121, %jit3A_119 : i32
      %rem3A_123 = arith.remsi %scan3A_102, %select_n3A_122 : i32
      %ne3A_124 = arith.constant 0 : i32
      %ne3A_125 = arith.cmpi ne, %rem3A_123, %ne3A_124 : i32
      %lt3A = arith.constant 0 : i32
      %lt3A_126 = arith.cmpi slt, %rem3A_123, %lt3A : i32
      %lt3A_127 = arith.constant 0 : i32
      %lt3A_128 = arith.cmpi slt, %select_n3A_122, %lt3A_127 : i32
      %ne3A_129 = arith.xori %lt3A_126, %lt3A_128 : i1
      %and3A_130 = arith.andi %ne3A_129, %ne3A_125 : i1
      %add3A_131 = arith.addi %rem3A_123, %select_n3A_122 : i32
      %select_n3A_132 = arith.select %and3A_130, %add3A_131, %rem3A_123 : i32
      %eq3A_133 = arith.constant 0 : i32
      %eq3A_134 = arith.cmpi eq, %select_n3A_132, %eq3A_133 : i32
      %convert_element_type3A = arith.extui %eq3A_134 : i1 to i32
      %cond3A = arith.constant 0 : i32
      %cond3A_135 = arith.cmpi ne, %convert_element_type3A, %cond3A : i32
      scf.if %cond3A_135 {
        %add3A_304 = arith.constant 1 : i32
        %add3A_305 = arith.addi %select_n3A, %add3A_304 : i32
        %lt3A_306 = arith.constant 100 : i32
        %lt3A_307 = arith.cmpi slt, %add3A_305, %lt3A_306 : i32
        %convert_element_type3A_308 = arith.extui %lt3A_307 : i1 to i32
        %cond3A_309 = arith.constant 0 : i32
        %cond3A_310 = arith.cmpi ne, %convert_element_type3A_308, %cond3A_309 : i32
        scf.if %cond3A_310 {
          %add3A_318 = arith.constant 1 : i32
          %add3A_319 = arith.addi %select_n3A, %add3A_318 : i32
          %jit3A_320 = arith.constant 3 : i32
          %eq3A_321 = arith.constant 0 : i32
          %eq3A_322 = arith.cmpi eq, %jit3A_320, %eq3A_321 : i32
          %jit3A_323 = arith.constant 1 : i32
          %select_n3A_324 = arith.select %eq3A_322, %jit3A_323, %jit3A_320 : i32
          %rem3A_325 = arith.remsi %add3A_319, %select_n3A_324 : i32
          %ne3A_326 = arith.constant 0 : i32
          %ne3A_327 = arith.cmpi ne, %rem3A_325, %ne3A_326 : i32
          %lt3A_328 = arith.constant 0 : i32
          %lt3A_329 = arith.cmpi slt, %rem3A_325, %lt3A_328 : i32
          %lt3A_330 = arith.constant 0 : i32
          %lt3A_331 = arith.cmpi slt, %select_n3A_324, %lt3A_330 : i32
          %ne3A_332 = arith.xori %lt3A_329, %lt3A_331 : i1
          %and3A_333 = arith.andi %ne3A_332, %ne3A_327 : i1
          %add3A_334 = arith.addi %rem3A_325, %select_n3A_324 : i32
          %select_n3A_335 = arith.select %and3A_333, %add3A_334, %rem3A_325 : i32
          %dma_wait3A_336 = arith.constant 0 : i32
          %dma_wait3A_337 = tpu.memref_slice %arg5[%select_n3A_335, %dma_wait3A_336] : memref<3x512xi32, #tpu.memory_space<vmem>> -> memref<1x512xi32, #tpu.memory_space<vmem>>
          %dma_wait3A_338 = tpu.memref_squeeze %dma_wait3A_337 : memref<1x512xi32, #tpu.memory_space<vmem>> -> memref<512xi32, #tpu.memory_space<vmem>>
          %dma_wait3A_339 = arith.constant 0 : i32
          %dma_wait3A_340 = tpu.memref_slice %arg2[%add3A_319, %add3A, %dma_wait3A_339] : memref<100x32x512xi32, #tpu.memory_space<hbm>> -> memref<1x1x512xi32, #tpu.memory_space<hbm>>
          %dma_wait3A_341 = tpu.memref_squeeze %dma_wait3A_340 : memref<1x1x512xi32, #tpu.memory_space<hbm>> -> memref<512xi32, #tpu.memory_space<hbm>>
          %dma_wait3A_342 = arith.constant 0 : i32
          %dma_wait3A_343 = tpu.memref_slice %arg5[%select_n3A_335, %dma_wait3A_342] : memref<3x512xi32, #tpu.memory_space<vmem>> -> memref<1x512xi32, #tpu.memory_space<vmem>>
          %dma_wait3A_344 = tpu.memref_squeeze %dma_wait3A_343 : memref<1x512xi32, #tpu.memory_space<vmem>> -> memref<512xi32, #tpu.memory_space<vmem>>
          %dma_wait3A_345 = arith.constant 0 : i32
          %dma_wait3A_346 = tpu.memref_slice %arg2[%add3A_319, %add3A, %dma_wait3A_345] : memref<100x32x512xi32, #tpu.memory_space<hbm>> -> memref<1x1x512xi32, #tpu.memory_space<hbm>>
          %dma_wait3A_347 = tpu.memref_squeeze %dma_wait3A_346 : memref<1x1x512xi32, #tpu.memory_space<hbm>> -> memref<512xi32, #tpu.memory_space<hbm>>
          tpu.wait_dma2 semaphore(%arg7 : memref<!tpu.dma_semaphore, #tpu.memory_space<semaphore_mem>>) src(%dma_wait3A_347 : memref<512xi32, #tpu.memory_space<hbm>>) dst(%dma_wait3A_344 : memref<512xi32, #tpu.memory_space<vmem>>)
        } else {
        }
        %add3A_311 = arith.constant 2 : i32
        %add3A_312 = arith.addi %select_n3A, %add3A_311 : i32
        %lt3A_313 = arith.constant 100 : i32
        %lt3A_314 = arith.cmpi slt, %add3A_312, %lt3A_313 : i32
        %convert_element_type3A_315 = arith.extui %lt3A_314 : i1 to i32
        %cond3A_316 = arith.constant 0 : i32
        %cond3A_317 = arith.cmpi ne, %convert_element_type3A_315, %cond3A_316 : i32
        scf.if %cond3A_317 {
          %add3A_318 = arith.constant 2 : i32
          %add3A_319 = arith.addi %select_n3A, %add3A_318 : i32
          %jit3A_320 = arith.constant 3 : i32
          %eq3A_321 = arith.constant 0 : i32
          %eq3A_322 = arith.cmpi eq, %jit3A_320, %eq3A_321 : i32
          %jit3A_323 = arith.constant 1 : i32
          %select_n3A_324 = arith.select %eq3A_322, %jit3A_323, %jit3A_320 : i32
          %rem3A_325 = arith.remsi %add3A_319, %select_n3A_324 : i32
          %ne3A_326 = arith.constant 0 : i32
          %ne3A_327 = arith.cmpi ne, %rem3A_325, %ne3A_326 : i32
          %lt3A_328 = arith.constant 0 : i32
          %lt3A_329 = arith.cmpi slt, %rem3A_325, %lt3A_328 : i32
          %lt3A_330 = arith.constant 0 : i32
          %lt3A_331 = arith.cmpi slt, %select_n3A_324, %lt3A_330 : i32
          %ne3A_332 = arith.xori %lt3A_329, %lt3A_331 : i1
          %and3A_333 = arith.andi %ne3A_332, %ne3A_327 : i1
          %add3A_334 = arith.addi %rem3A_325, %select_n3A_324 : i32
          %select_n3A_335 = arith.select %and3A_333, %add3A_334, %rem3A_325 : i32
          %dma_start3A_336 = arith.constant 0 : i32
          %dma_start3A_337 = tpu.memref_slice %arg5[%select_n3A_335, %dma_start3A_336] : memref<3x512xi32, #tpu.memory_space<vmem>> -> memref<1x512xi32, #tpu.memory_space<vmem>>
          %dma_start3A_338 = tpu.memref_squeeze %dma_start3A_337 : memref<1x512xi32, #tpu.memory_space<vmem>> -> memref<512xi32, #tpu.memory_space<vmem>>
          %dma_start3A_339 = arith.constant 0 : i32
          %dma_start3A_340 = tpu.memref_slice %arg2[%add3A_319, %add3A, %dma_start3A_339] : memref<100x32x512xi32, #tpu.memory_space<hbm>> -> memref<1x1x512xi32, #tpu.memory_space<hbm>>
          %dma_start3A_341 = tpu.memref_squeeze %dma_start3A_340 : memref<1x1x512xi32, #tpu.memory_space<hbm>> -> memref<512xi32, #tpu.memory_space<hbm>>
          %dma_start3A_342 = arith.constant 0 : i32
          %dma_start3A_343 = tpu.memref_slice %arg5[%select_n3A_335, %dma_start3A_342] : memref<3x512xi32, #tpu.memory_space<vmem>> -> memref<1x512xi32, #tpu.memory_space<vmem>>
          %dma_start3A_344 = tpu.memref_squeeze %dma_start3A_343 : memref<1x512xi32, #tpu.memory_space<vmem>> -> memref<512xi32, #tpu.memory_space<vmem>>
          %dma_start3A_345 = arith.constant 0 : i32
          %dma_start3A_346 = tpu.memref_slice %arg2[%add3A_319, %add3A, %dma_start3A_345] : memref<100x32x512xi32, #tpu.memory_space<hbm>> -> memref<1x1x512xi32, #tpu.memory_space<hbm>>
          %dma_start3A_347 = tpu.memref_squeeze %dma_start3A_346 : memref<1x1x512xi32, #tpu.memory_space<hbm>> -> memref<512xi32, #tpu.memory_space<hbm>>
          tpu.enqueue_dma source(%dma_start3A_347 : memref<512xi32, #tpu.memory_space<hbm>>) target(%dma_start3A_344 : memref<512xi32, #tpu.memory_space<vmem>>) target_semaphore(%arg7 : memref<!tpu.dma_semaphore, #tpu.memory_space<semaphore_mem>>)
        } else {
        }
      } else {
      }
      %ge3A = arith.constant 2 : i32
      %ge3A_136 = arith.cmpi sge, %scan3A_102, %ge3A : i32
      %convert_element_type3A_137 = arith.extui %ge3A_136 : i1 to i32
      %cond3A_138 = arith.constant 0 : i32
      %cond3A_139 = arith.cmpi ne, %convert_element_type3A_137, %cond3A_138 : i32
      scf.if %cond3A_139 {
        %sub3A_304 = arith.constant 2 : i32
        %sub3A_305 = arith.subi %scan3A_102, %sub3A_304 : i32
        %jit3A_306 = arith.constant 4 : i32
        %div3A_307 = arith.divsi %sub3A_305, %jit3A_306 : i32
        %sign3A_308 = arith.constant 0 : i32
        %sign3A_309 = arith.cmpi sgt, %sub3A_305, %sign3A_308 : i32
        %sign3A_310 = arith.extui %sign3A_309 : i1 to i32
        %sign3A_311 = arith.constant 0 : i32
        %sign3A_312 = arith.cmpi slt, %sub3A_305, %sign3A_311 : i32
        %sign3A_313 = arith.extui %sign3A_312 : i1 to i32
        %sign3A_314 = arith.subi %sign3A_310, %sign3A_313 : i32
        %sign3A_315 = arith.constant 0 : i32
        %sign3A_316 = arith.cmpi sgt, %jit3A_306, %sign3A_315 : i32
        %sign3A_317 = arith.extui %sign3A_316 : i1 to i32
        %sign3A_318 = arith.constant 0 : i32
        %sign3A_319 = arith.cmpi slt, %jit3A_306, %sign3A_318 : i32
        %sign3A_320 = arith.extui %sign3A_319 : i1 to i32
        %sign3A_321 = arith.subi %sign3A_317, %sign3A_320 : i32
        %ne3A_322 = arith.cmpi ne, %sign3A_314, %sign3A_321 : i32
        %rem3A_323 = arith.remsi %sub3A_305, %jit3A_306 : i32
        %ne3A_324 = arith.constant 0 : i32
        %ne3A_325 = arith.cmpi ne, %rem3A_323, %ne3A_324 : i32
        %and3A_326 = arith.andi %ne3A_322, %ne3A_325 : i1
        %sub3A_327 = arith.constant 1 : i32
        %sub3A_328 = arith.subi %div3A_307, %sub3A_327 : i32
        %select_n3A_329 = arith.select %and3A_326, %sub3A_328, %div3A_307 : i32
        %jit3A_330 = arith.constant 4 : i32
        %eq3A_331 = arith.constant 0 : i32
        %eq3A_332 = arith.cmpi eq, %jit3A_330, %eq3A_331 : i32
        %jit3A_333 = arith.constant 1 : i32
        %select_n3A_334 = arith.select %eq3A_332, %jit3A_333, %jit3A_330 : i32
        %rem3A_335 = arith.remsi %sub3A_305, %select_n3A_334 : i32
        %ne3A_336 = arith.constant 0 : i32
        %ne3A_337 = arith.cmpi ne, %rem3A_335, %ne3A_336 : i32
        %lt3A_338 = arith.constant 0 : i32
        %lt3A_339 = arith.cmpi slt, %rem3A_335, %lt3A_338 : i32
        %lt3A_340 = arith.constant 0 : i32
        %lt3A_341 = arith.cmpi slt, %select_n3A_334, %lt3A_340 : i32
        %ne3A_342 = arith.xori %lt3A_339, %lt3A_341 : i1
        %and3A_343 = arith.andi %ne3A_342, %ne3A_337 : i1
        %add3A_344 = arith.addi %rem3A_335, %select_n3A_334 : i32
        %select_n3A_345 = arith.select %and3A_343, %add3A_344, %rem3A_335 : i32
        %jit3A_346 = arith.constant 6 : i32
        %eq3A_347 = arith.constant 0 : i32
        %eq3A_348 = arith.cmpi eq, %jit3A_346, %eq3A_347 : i32
        %jit3A_349 = arith.constant 1 : i32
        %select_n3A_350 = arith.select %eq3A_348, %jit3A_349, %jit3A_346 : i32
        %rem3A_351 = arith.remsi %sub3A_305, %select_n3A_350 : i32
        %ne3A_352 = arith.constant 0 : i32
        %ne3A_353 = arith.cmpi ne, %rem3A_351, %ne3A_352 : i32
        %lt3A_354 = arith.constant 0 : i32
        %lt3A_355 = arith.cmpi slt, %rem3A_351, %lt3A_354 : i32
        %lt3A_356 = arith.constant 0 : i32
        %lt3A_357 = arith.cmpi slt, %select_n3A_350, %lt3A_356 : i32
        %ne3A_358 = arith.xori %lt3A_355, %lt3A_357 : i1
        %and3A_359 = arith.andi %ne3A_358, %ne3A_353 : i1
        %add3A_360 = arith.addi %rem3A_351, %select_n3A_350 : i32
        %select_n3A_361 = arith.select %and3A_359, %add3A_360, %rem3A_351 : i32
        %mul3A_362 = arith.constant 16384 : i32
        %mul3A_363 = arith.muli %select_n3A_329, %mul3A_362 : i32
        %add3A_364 = arith.addi %mul3A_363, %mul3A_2 : i32
        %mul3A_365 = arith.constant 128 : i32
        %mul3A_366 = arith.muli %select_n3A_345, %mul3A_365 : i32
        %add3A_367 = arith.addi %add3A_364, %mul3A_366 : i32
        %dma_wait3A_368 = arith.constant 0 : i32
        %dma_wait3A_369 = arith.constant 0 : i32
        %dma_wait3A_370 = tpu.memref_slice %arg6[%select_n3A_361, %dma_wait3A_368, %dma_wait3A_369] : memref<6x128x128xf32, #tpu.memory_space<vmem>> -> memref<1x128x128xf32, #tpu.memory_space<vmem>>
        %dma_wait3A_371 = tpu.memref_squeeze %dma_wait3A_370 : memref<1x128x128xf32, #tpu.memory_space<vmem>> -> memref<128x128xf32, #tpu.memory_space<vmem>>
        %dma_wait3A_372 = arith.constant 0 : i32
        %dma_wait3A_373 = tpu.memref_slice %arg4[%add3A_367, %dma_wait3A_372] : memref<1638400x128xf32, #tpu.memory_space<hbm>> -> memref<128x128xf32, #tpu.memory_space<hbm>>
        %dma_wait3A_374 = arith.constant 0 : i32
        %dma_wait3A_375 = tpu.memref_slice %arg4[%add3A_367, %dma_wait3A_374] : memref<1638400x128xf32, #tpu.memory_space<hbm>> -> memref<128x128xf32, #tpu.memory_space<hbm>>
        %dma_wait3A_376 = arith.constant 0 : i32
        %dma_wait3A_377 = arith.constant 0 : i32
        %dma_wait3A_378 = tpu.memref_slice %arg6[%select_n3A_361, %dma_wait3A_376, %dma_wait3A_377] : memref<6x128x128xf32, #tpu.memory_space<vmem>> -> memref<1x128x128xf32, #tpu.memory_space<vmem>>
        %dma_wait3A_379 = tpu.memref_squeeze %dma_wait3A_378 : memref<1x128x128xf32, #tpu.memory_space<vmem>> -> memref<128x128xf32, #tpu.memory_space<vmem>>
        tpu.wait_dma2 semaphore(%arg9 : memref<!tpu.dma_semaphore, #tpu.memory_space<semaphore_mem>>) src(%dma_wait3A_379 : memref<128x128xf32, #tpu.memory_space<vmem>>) dst(%dma_wait3A_375 : memref<128x128xf32, #tpu.memory_space<hbm>>)
      } else {
      }
      %add3A_140 = arith.constant 4 : i32
      %add3A_141 = arith.addi %scan3A_102, %add3A_140 : i32
      %lt3A_142 = arith.constant 400 : i32
      %lt3A_143 = arith.cmpi slt, %add3A_141, %lt3A_142 : i32
      %convert_element_type3A_144 = arith.extui %lt3A_143 : i1 to i32
      %cond3A_145 = arith.constant 0 : i32
      %cond3A_146 = arith.cmpi ne, %convert_element_type3A_144, %cond3A_145 : i32
      scf.if %cond3A_146 {
        %add3A_304 = arith.constant 4 : i32
        %add3A_305 = arith.addi %scan3A_102, %add3A_304 : i32
        %jit3A_306 = arith.constant 4 : i32
        %div3A_307 = arith.divsi %add3A_305, %jit3A_306 : i32
        %sign3A_308 = arith.constant 0 : i32
        %sign3A_309 = arith.cmpi sgt, %add3A_305, %sign3A_308 : i32
        %sign3A_310 = arith.extui %sign3A_309 : i1 to i32
        %sign3A_311 = arith.constant 0 : i32
        %sign3A_312 = arith.cmpi slt, %add3A_305, %sign3A_311 : i32
        %sign3A_313 = arith.extui %sign3A_312 : i1 to i32
        %sign3A_314 = arith.subi %sign3A_310, %sign3A_313 : i32
        %sign3A_315 = arith.constant 0 : i32
        %sign3A_316 = arith.cmpi sgt, %jit3A_306, %sign3A_315 : i32
        %sign3A_317 = arith.extui %sign3A_316 : i1 to i32
        %sign3A_318 = arith.constant 0 : i32
        %sign3A_319 = arith.cmpi slt, %jit3A_306, %sign3A_318 : i32
        %sign3A_320 = arith.extui %sign3A_319 : i1 to i32
        %sign3A_321 = arith.subi %sign3A_317, %sign3A_320 : i32
        %ne3A_322 = arith.cmpi ne, %sign3A_314, %sign3A_321 : i32
        %rem3A_323 = arith.remsi %add3A_305, %jit3A_306 : i32
        %ne3A_324 = arith.constant 0 : i32
        %ne3A_325 = arith.cmpi ne, %rem3A_323, %ne3A_324 : i32
        %and3A_326 = arith.andi %ne3A_322, %ne3A_325 : i1
        %sub3A_327 = arith.constant 1 : i32
        %sub3A_328 = arith.subi %div3A_307, %sub3A_327 : i32
        %select_n3A_329 = arith.select %and3A_326, %sub3A_328, %div3A_307 : i32
        %jit3A_330 = arith.constant 4 : i32
        %eq3A_331 = arith.constant 0 : i32
        %eq3A_332 = arith.cmpi eq, %jit3A_330, %eq3A_331 : i32
        %jit3A_333 = arith.constant 1 : i32
        %select_n3A_334 = arith.select %eq3A_332, %jit3A_333, %jit3A_330 : i32
        %rem3A_335 = arith.remsi %add3A_305, %select_n3A_334 : i32
        %ne3A_336 = arith.constant 0 : i32
        %ne3A_337 = arith.cmpi ne, %rem3A_335, %ne3A_336 : i32
        %lt3A_338 = arith.constant 0 : i32
        %lt3A_339 = arith.cmpi slt, %rem3A_335, %lt3A_338 : i32
        %lt3A_340 = arith.constant 0 : i32
        %lt3A_341 = arith.cmpi slt, %select_n3A_334, %lt3A_340 : i32
        %ne3A_342 = arith.xori %lt3A_339, %lt3A_341 : i1
        %and3A_343 = arith.andi %ne3A_342, %ne3A_337 : i1
        %add3A_344 = arith.addi %rem3A_335, %select_n3A_334 : i32
        %select_n3A_345 = arith.select %and3A_343, %add3A_344, %rem3A_335 : i32
        %jit3A_346 = arith.constant 3 : i32
        %eq3A_347 = arith.constant 0 : i32
        %eq3A_348 = arith.cmpi eq, %jit3A_346, %eq3A_347 : i32
        %jit3A_349 = arith.constant 1 : i32
        %select_n3A_350 = arith.select %eq3A_348, %jit3A_349, %jit3A_346 : i32
        %rem3A_351 = arith.remsi %select_n3A_329, %select_n3A_350 : i32
        %ne3A_352 = arith.constant 0 : i32
        %ne3A_353 = arith.cmpi ne, %rem3A_351, %ne3A_352 : i32
        %lt3A_354 = arith.constant 0 : i32
        %lt3A_355 = arith.cmpi slt, %rem3A_351, %lt3A_354 : i32
        %lt3A_356 = arith.constant 0 : i32
        %lt3A_357 = arith.cmpi slt, %select_n3A_350, %lt3A_356 : i32
        %ne3A_358 = arith.xori %lt3A_355, %lt3A_357 : i1
        %and3A_359 = arith.andi %ne3A_358, %ne3A_353 : i1
        %add3A_360 = arith.addi %rem3A_351, %select_n3A_350 : i32
        %select_n3A_361 = arith.select %and3A_359, %add3A_360, %rem3A_351 : i32
        %mul3A_362 = arith.constant 128 : i32
        %mul3A_363 = arith.muli %select_n3A_345, %mul3A_362 : i32
        %jit3A_364 = arith.constant 6 : i32
        %eq3A_365 = arith.constant 0 : i32
        %eq3A_366 = arith.cmpi eq, %jit3A_364, %eq3A_365 : i32
        %jit3A_367 = arith.constant 1 : i32
        %select_n3A_368 = arith.select %eq3A_366, %jit3A_367, %jit3A_364 : i32
        %rem3A_369 = arith.remsi %add3A_305, %select_n3A_368 : i32
        %ne3A_370 = arith.constant 0 : i32
        %ne3A_371 = arith.cmpi ne, %rem3A_369, %ne3A_370 : i32
        %lt3A_372 = arith.constant 0 : i32
        %lt3A_373 = arith.cmpi slt, %rem3A_369, %lt3A_372 : i32
        %lt3A_374 = arith.constant 0 : i32
        %lt3A_375 = arith.cmpi slt, %select_n3A_368, %lt3A_374 : i32
        %ne3A_376 = arith.xori %lt3A_373, %lt3A_375 : i1
        %and3A_377 = arith.andi %ne3A_376, %ne3A_371 : i1
        %add3A_378 = arith.addi %rem3A_369, %select_n3A_368 : i32
        %select_n3A_379 = arith.select %and3A_377, %add3A_378, %rem3A_369 : i32
        %dma_start3A_380 = arith.constant 0 : i32
        %dma_start3A_381 = arith.constant 0 : i32
        %dma_start3A_382 = tpu.memref_slice %arg6[%select_n3A_379, %dma_start3A_380, %dma_start3A_381] : memref<6x128x128xf32, #tpu.memory_space<vmem>> -> memref<1x128x128xf32, #tpu.memory_space<vmem>>
        %dma_start3A_383 = tpu.memref_squeeze %dma_start3A_382 : memref<1x128x128xf32, #tpu.memory_space<vmem>> -> memref<128x128xf32, #tpu.memory_space<vmem>>
        %dma_start3A_384 = tpu.memref_slice %arg5[%select_n3A_361, %mul3A_363] : memref<3x512xi32, #tpu.memory_space<vmem>> -> memref<1x128xi32, #tpu.memory_space<vmem>>
        %dma_start3A_385 = tpu.memref_squeeze %dma_start3A_384 : memref<1x128xi32, #tpu.memory_space<vmem>> -> memref<128xi32, #tpu.memory_space<vmem>>
        %dma_start3A_386 = arith.constant 0 : i32
        %dma_start3A_387 = arith.constant 0 : i32
        %dma_start3A_388 = tpu.memref_slice %arg3[%dma_start3A_386, %dma_start3A_387] : memref<100000x128xf32, #tpu.memory_space<hbm>> -> memref<100000x128xf32, #tpu.memory_space<hbm>>
        tpu.enqueue_indirect_dma source(%dma_start3A_388 : memref<100000x128xf32, #tpu.memory_space<hbm>>) target(%dma_start3A_383 : memref<128x128xf32, #tpu.memory_space<vmem>>) offsets(%dma_start3A_385 : memref<128xi32, #tpu.memory_space<vmem>>) semaphore(%arg8 : memref<!tpu.dma_semaphore, #tpu.memory_space<semaphore_mem>>)
      } else {
      }
      %jit3A_147 = arith.constant 4 : i32
      %div3A_148 = arith.divsi %scan3A_102, %jit3A_147 : i32
      %sign3A_149 = arith.constant 0 : i32
      %sign3A_150 = arith.cmpi sgt, %scan3A_102, %sign3A_149 : i32
      %sign3A_151 = arith.extui %sign3A_150 : i1 to i32
      %sign3A_152 = arith.constant 0 : i32
      %sign3A_153 = arith.cmpi slt, %scan3A_102, %sign3A_152 : i32
      %sign3A_154 = arith.extui %sign3A_153 : i1 to i32
      %sign3A_155 = arith.subi %sign3A_151, %sign3A_154 : i32
      %sign3A_156 = arith.constant 0 : i32
      %sign3A_157 = arith.cmpi sgt, %jit3A_147, %sign3A_156 : i32
      %sign3A_158 = arith.extui %sign3A_157 : i1 to i32
      %sign3A_159 = arith.constant 0 : i32
      %sign3A_160 = arith.cmpi slt, %jit3A_147, %sign3A_159 : i32
      %sign3A_161 = arith.extui %sign3A_160 : i1 to i32
      %sign3A_162 = arith.subi %sign3A_158, %sign3A_161 : i32
      %ne3A_163 = arith.cmpi ne, %sign3A_155, %sign3A_162 : i32
      %rem3A_164 = arith.remsi %scan3A_102, %jit3A_147 : i32
      %ne3A_165 = arith.constant 0 : i32
      %ne3A_166 = arith.cmpi ne, %rem3A_164, %ne3A_165 : i32
      %and3A_167 = arith.andi %ne3A_163, %ne3A_166 : i1
      %sub3A_168 = arith.constant 1 : i32
      %sub3A_169 = arith.subi %div3A_148, %sub3A_168 : i32
      %select_n3A_170 = arith.select %and3A_167, %sub3A_169, %div3A_148 : i32
      %jit3A_171 = arith.constant 4 : i32
      %eq3A_172 = arith.constant 0 : i32
      %eq3A_173 = arith.cmpi eq, %jit3A_171, %eq3A_172 : i32
      %jit3A_174 = arith.constant 1 : i32
      %select_n3A_175 = arith.select %eq3A_173, %jit3A_174, %jit3A_171 : i32
      %rem3A_176 = arith.remsi %scan3A_102, %select_n3A_175 : i32
      %ne3A_177 = arith.constant 0 : i32
      %ne3A_178 = arith.cmpi ne, %rem3A_176, %ne3A_177 : i32
      %lt3A_179 = arith.constant 0 : i32
      %lt3A_180 = arith.cmpi slt, %rem3A_176, %lt3A_179 : i32
      %lt3A_181 = arith.constant 0 : i32
      %lt3A_182 = arith.cmpi slt, %select_n3A_175, %lt3A_181 : i32
      %ne3A_183 = arith.xori %lt3A_180, %lt3A_182 : i1
      %and3A_184 = arith.andi %ne3A_183, %ne3A_178 : i1
      %add3A_185 = arith.addi %rem3A_176, %select_n3A_175 : i32
      %select_n3A_186 = arith.select %and3A_184, %add3A_185, %rem3A_176 : i32
      %jit3A_187 = arith.constant 3 : i32
      %eq3A_188 = arith.constant 0 : i32
      %eq3A_189 = arith.cmpi eq, %jit3A_187, %eq3A_188 : i32
      %jit3A_190 = arith.constant 1 : i32
      %select_n3A_191 = arith.select %eq3A_189, %jit3A_190, %jit3A_187 : i32
      %rem3A_192 = arith.remsi %select_n3A_170, %select_n3A_191 : i32
      %ne3A_193 = arith.constant 0 : i32
      %ne3A_194 = arith.cmpi ne, %rem3A_192, %ne3A_193 : i32
      %lt3A_195 = arith.constant 0 : i32
      %lt3A_196 = arith.cmpi slt, %rem3A_192, %lt3A_195 : i32
      %lt3A_197 = arith.constant 0 : i32
      %lt3A_198 = arith.cmpi slt, %select_n3A_191, %lt3A_197 : i32
      %ne3A_199 = arith.xori %lt3A_196, %lt3A_198 : i1
      %and3A_200 = arith.andi %ne3A_199, %ne3A_194 : i1
      %add3A_201 = arith.addi %rem3A_192, %select_n3A_191 : i32
      %select_n3A_202 = arith.select %and3A_200, %add3A_201, %rem3A_192 : i32
      %mul3A_203 = arith.constant 128 : i32
      %mul3A_204 = arith.muli %select_n3A_186, %mul3A_203 : i32
      %jit3A_205 = arith.constant 6 : i32
      %eq3A_206 = arith.constant 0 : i32
      %eq3A_207 = arith.cmpi eq, %jit3A_205, %eq3A_206 : i32
      %jit3A_208 = arith.constant 1 : i32
      %select_n3A_209 = arith.select %eq3A_207, %jit3A_208, %jit3A_205 : i32
      %rem3A_210 = arith.remsi %scan3A_102, %select_n3A_209 : i32
      %ne3A_211 = arith.constant 0 : i32
      %ne3A_212 = arith.cmpi ne, %rem3A_210, %ne3A_211 : i32
      %lt3A_213 = arith.constant 0 : i32
      %lt3A_214 = arith.cmpi slt, %rem3A_210, %lt3A_213 : i32
      %lt3A_215 = arith.constant 0 : i32
      %lt3A_216 = arith.cmpi slt, %select_n3A_209, %lt3A_215 : i32
      %ne3A_217 = arith.xori %lt3A_214, %lt3A_216 : i1
      %and3A_218 = arith.andi %ne3A_217, %ne3A_212 : i1
      %add3A_219 = arith.addi %rem3A_210, %select_n3A_209 : i32
      %select_n3A_220 = arith.select %and3A_218, %add3A_219, %rem3A_210 : i32
      %dma_wait3A_221 = arith.constant 0 : i32
      %dma_wait3A_222 = arith.constant 0 : i32
      %dma_wait3A_223 = tpu.memref_slice %arg6[%select_n3A_220, %dma_wait3A_221, %dma_wait3A_222] : memref<6x128x128xf32, #tpu.memory_space<vmem>> -> memref<1x128x128xf32, #tpu.memory_space<vmem>>
      %dma_wait3A_224 = tpu.memref_squeeze %dma_wait3A_223 : memref<1x128x128xf32, #tpu.memory_space<vmem>> -> memref<128x128xf32, #tpu.memory_space<vmem>>
      %dma_wait3A_225 = tpu.memref_slice %arg5[%select_n3A_202, %mul3A_204] : memref<3x512xi32, #tpu.memory_space<vmem>> -> memref<1x128xi32, #tpu.memory_space<vmem>>
      %dma_wait3A_226 = tpu.memref_squeeze %dma_wait3A_225 : memref<1x128xi32, #tpu.memory_space<vmem>> -> memref<128xi32, #tpu.memory_space<vmem>>
      %dma_wait3A_227 = arith.constant 0 : i32
      %dma_wait3A_228 = arith.constant 0 : i32
      %dma_wait3A_229 = tpu.memref_slice %arg3[%dma_wait3A_227, %dma_wait3A_228] : memref<100000x128xf32, #tpu.memory_space<hbm>> -> memref<100000x128xf32, #tpu.memory_space<hbm>>
      tpu.wait_indirect_dma semaphore(%arg8 : memref<!tpu.dma_semaphore, #tpu.memory_space<semaphore_mem>>) src(%dma_wait3A_229 : memref<100000x128xf32, #tpu.memory_space<hbm>>) dst(%dma_wait3A_224 : memref<128x128xf32, #tpu.memory_space<vmem>>)
      %jit3A_230 = arith.constant 4 : i32
      %div3A_231 = arith.divsi %scan3A_102, %jit3A_230 : i32
      %sign3A_232 = arith.constant 0 : i32
      %sign3A_233 = arith.cmpi sgt, %scan3A_102, %sign3A_232 : i32
      %sign3A_234 = arith.extui %sign3A_233 : i1 to i32
      %sign3A_235 = arith.constant 0 : i32
      %sign3A_236 = arith.cmpi slt, %scan3A_102, %sign3A_235 : i32
      %sign3A_237 = arith.extui %sign3A_236 : i1 to i32
      %sign3A_238 = arith.subi %sign3A_234, %sign3A_237 : i32
      %sign3A_239 = arith.constant 0 : i32
      %sign3A_240 = arith.cmpi sgt, %jit3A_230, %sign3A_239 : i32
      %sign3A_241 = arith.extui %sign3A_240 : i1 to i32
      %sign3A_242 = arith.constant 0 : i32
      %sign3A_243 = arith.cmpi slt, %jit3A_230, %sign3A_242 : i32
      %sign3A_244 = arith.extui %sign3A_243 : i1 to i32
      %sign3A_245 = arith.subi %sign3A_241, %sign3A_244 : i32
      %ne3A_246 = arith.cmpi ne, %sign3A_238, %sign3A_245 : i32
      %rem3A_247 = arith.remsi %scan3A_102, %jit3A_230 : i32
      %ne3A_248 = arith.constant 0 : i32
      %ne3A_249 = arith.cmpi ne, %rem3A_247, %ne3A_248 : i32
      %and3A_250 = arith.andi %ne3A_246, %ne3A_249 : i1
      %sub3A_251 = arith.constant 1 : i32
      %sub3A_252 = arith.subi %div3A_231, %sub3A_251 : i32
      %select_n3A_253 = arith.select %and3A_250, %sub3A_252, %div3A_231 : i32
      %jit3A_254 = arith.constant 4 : i32
      %eq3A_255 = arith.constant 0 : i32
      %eq3A_256 = arith.cmpi eq, %jit3A_254, %eq3A_255 : i32
      %jit3A_257 = arith.constant 1 : i32
      %select_n3A_258 = arith.select %eq3A_256, %jit3A_257, %jit3A_254 : i32
      %rem3A_259 = arith.remsi %scan3A_102, %select_n3A_258 : i32
      %ne3A_260 = arith.constant 0 : i32
      %ne3A_261 = arith.cmpi ne, %rem3A_259, %ne3A_260 : i32
      %lt3A_262 = arith.constant 0 : i32
      %lt3A_263 = arith.cmpi slt, %rem3A_259, %lt3A_262 : i32
      %lt3A_264 = arith.constant 0 : i32
      %lt3A_265 = arith.cmpi slt, %select_n3A_258, %lt3A_264 : i32
      %ne3A_266 = arith.xori %lt3A_263, %lt3A_265 : i1
      %and3A_267 = arith.andi %ne3A_266, %ne3A_261 : i1
      %add3A_268 = arith.addi %rem3A_259, %select_n3A_258 : i32
      %select_n3A_269 = arith.select %and3A_267, %add3A_268, %rem3A_259 : i32
      %jit3A_270 = arith.constant 6 : i32
      %eq3A_271 = arith.constant 0 : i32
      %eq3A_272 = arith.cmpi eq, %jit3A_270, %eq3A_271 : i32
      %jit3A_273 = arith.constant 1 : i32
      %select_n3A_274 = arith.select %eq3A_272, %jit3A_273, %jit3A_270 : i32
      %rem3A_275 = arith.remsi %scan3A_102, %select_n3A_274 : i32
      %ne3A_276 = arith.constant 0 : i32
      %ne3A_277 = arith.cmpi ne, %rem3A_275, %ne3A_276 : i32
      %lt3A_278 = arith.constant 0 : i32
      %lt3A_279 = arith.cmpi slt, %rem3A_275, %lt3A_278 : i32
      %lt3A_280 = arith.constant 0 : i32
      %lt3A_281 = arith.cmpi slt, %select_n3A_274, %lt3A_280 : i32
      %ne3A_282 = arith.xori %lt3A_279, %lt3A_281 : i1
      %and3A_283 = arith.andi %ne3A_282, %ne3A_277 : i1
      %add3A_284 = arith.addi %rem3A_275, %select_n3A_274 : i32
      %select_n3A_285 = arith.select %and3A_283, %add3A_284, %rem3A_275 : i32
      %mul3A_286 = arith.constant 16384 : i32
      %mul3A_287 = arith.muli %select_n3A_253, %mul3A_286 : i32
      %add3A_288 = arith.addi %mul3A_287, %mul3A_2 : i32
      %mul3A_289 = arith.constant 128 : i32
      %mul3A_290 = arith.muli %select_n3A_269, %mul3A_289 : i32
      %add3A_291 = arith.addi %add3A_288, %mul3A_290 : i32
      %dma_start3A_292 = arith.constant 0 : i32
      %dma_start3A_293 = arith.constant 0 : i32
      %dma_start3A_294 = tpu.memref_slice %arg6[%select_n3A_285, %dma_start3A_292, %dma_start3A_293] : memref<6x128x128xf32, #tpu.memory_space<vmem>> -> memref<1x128x128xf32, #tpu.memory_space<vmem>>
      %dma_start3A_295 = tpu.memref_squeeze %dma_start3A_294 : memref<1x128x128xf32, #tpu.memory_space<vmem>> -> memref<128x128xf32, #tpu.memory_space<vmem>>
      %dma_start3A_296 = arith.constant 0 : i32
      %dma_start3A_297 = tpu.memref_slice %arg4[%add3A_291, %dma_start3A_296] : memref<1638400x128xf32, #tpu.memory_space<hbm>> -> memref<128x128xf32, #tpu.memory_space<hbm>>
      %dma_start3A_298 = arith.constant 0 : i32
      %dma_start3A_299 = tpu.memref_slice %arg4[%add3A_291, %dma_start3A_298] : memref<1638400x128xf32, #tpu.memory_space<hbm>> -> memref<128x128xf32, #tpu.memory_space<hbm>>
      %dma_start3A_300 = arith.constant 0 : i32
      %dma_start3A_301 = arith.constant 0 : i32
      %dma_start3A_302 = tpu.memref_slice %arg6[%select_n3A_285, %dma_start3A_300, %dma_start3A_301] : memref<6x128x128xf32, #tpu.memory_space<vmem>> -> memref<1x128x128xf32, #tpu.memory_space<vmem>>
      %dma_start3A_303 = tpu.memref_squeeze %dma_start3A_302 : memref<1x128x128xf32, #tpu.memory_space<vmem>> -> memref<128x128xf32, #tpu.memory_space<vmem>>
      tpu.enqueue_dma source(%dma_start3A_303 : memref<128x128xf32, #tpu.memory_space<vmem>>) target(%dma_start3A_299 : memref<128x128xf32, #tpu.memory_space<hbm>>) target_semaphore(%arg9 : memref<!tpu.dma_semaphore, #tpu.memory_space<semaphore_mem>>)
    }
    %scan3A_95 = arith.constant 400 : i32
    %scan3A_96 = arith.constant 0 : i32
    %scan3A_97 = arith.constant 398 : i32
    %scan3A_98 = arith.constant 2 : i32
    %scan3A_99 = arith.addi %scan3A_97, %scan3A_98 : i32
    %scan3A_100 = arith.constant 1 : i32
    scf.for %scan3A_102 = %scan3A_97 to %scan3A_99 step %scan3A_100  : i32 {
      %jit3A = arith.constant 4 : i32
      %div3A = arith.divsi %scan3A_102, %jit3A : i32
      %sign3A = arith.constant 0 : i32
      %sign3A_103 = arith.cmpi sgt, %scan3A_102, %sign3A : i32
      %sign3A_104 = arith.extui %sign3A_103 : i1 to i32
      %sign3A_105 = arith.constant 0 : i32
      %sign3A_106 = arith.cmpi slt, %scan3A_102, %sign3A_105 : i32
      %sign3A_107 = arith.extui %sign3A_106 : i1 to i32
      %sign3A_108 = arith.subi %sign3A_104, %sign3A_107 : i32
      %sign3A_109 = arith.constant 0 : i32
      %sign3A_110 = arith.cmpi sgt, %jit3A, %sign3A_109 : i32
      %sign3A_111 = arith.extui %sign3A_110 : i1 to i32
      %sign3A_112 = arith.constant 0 : i32
      %sign3A_113 = arith.cmpi slt, %jit3A, %sign3A_112 : i32
      %sign3A_114 = arith.extui %sign3A_113 : i1 to i32
      %sign3A_115 = arith.subi %sign3A_111, %sign3A_114 : i32
      %ne3A = arith.cmpi ne, %sign3A_108, %sign3A_115 : i32
      %rem3A = arith.remsi %scan3A_102, %jit3A : i32
      %ne3A_116 = arith.constant 0 : i32
      %ne3A_117 = arith.cmpi ne, %rem3A, %ne3A_116 : i32
      %and3A = arith.andi %ne3A, %ne3A_117 : i1
      %sub3A = arith.constant 1 : i32
      %sub3A_118 = arith.subi %div3A, %sub3A : i32
      %select_n3A = arith.select %and3A, %sub3A_118, %div3A : i32
      %jit3A_119 = arith.constant 4 : i32
      %eq3A = arith.constant 0 : i32
      %eq3A_120 = arith.cmpi eq, %jit3A_119, %eq3A : i32
      %jit3A_121 = arith.constant 1 : i32
      %select_n3A_122 = arith.select %eq3A_120, %jit3A_121, %jit3A_119 : i32
      %rem3A_123 = arith.remsi %scan3A_102, %select_n3A_122 : i32
      %ne3A_124 = arith.constant 0 : i32
      %ne3A_125 = arith.cmpi ne, %rem3A_123, %ne3A_124 : i32
      %lt3A = arith.constant 0 : i32
      %lt3A_126 = arith.cmpi slt, %rem3A_123, %lt3A : i32
      %lt3A_127 = arith.constant 0 : i32
      %lt3A_128 = arith.cmpi slt, %select_n3A_122, %lt3A_127 : i32
      %ne3A_129 = arith.xori %lt3A_126, %lt3A_128 : i1
      %and3A_130 = arith.andi %ne3A_129, %ne3A_125 : i1
      %add3A_131 = arith.addi %rem3A_123, %select_n3A_122 : i32
      %select_n3A_132 = arith.select %and3A_130, %add3A_131, %rem3A_123 : i32
      %jit3A_133 = arith.constant 6 : i32
      %eq3A_134 = arith.constant 0 : i32
      %eq3A_135 = arith.cmpi eq, %jit3A_133, %eq3A_134 : i32
      %jit3A_136 = arith.constant 1 : i32
      %select_n3A_137 = arith.select %eq3A_135, %jit3A_136, %jit3A_133 : i32
      %rem3A_138 = arith.remsi %scan3A_102, %select_n3A_137 : i32
      %ne3A_139 = arith.constant 0 : i32
      %ne3A_140 = arith.cmpi ne, %rem3A_138, %ne3A_139 : i32
      %lt3A_141 = arith.constant 0 : i32
      %lt3A_142 = arith.cmpi slt, %rem3A_138, %lt3A_141 : i32
      %lt3A_143 = arith.constant 0 : i32
      %lt3A_144 = arith.cmpi slt, %select_n3A_137, %lt3A_143 : i32
      %ne3A_145 = arith.xori %lt3A_142, %lt3A_144 : i1
      %and3A_146 = arith.andi %ne3A_145, %ne3A_140 : i1
      %add3A_147 = arith.addi %rem3A_138, %select_n3A_137 : i32
      %select_n3A_148 = arith.select %and3A_146, %add3A_147, %rem3A_138 : i32
      %mul3A_149 = arith.constant 16384 : i32
      %mul3A_150 = arith.muli %select_n3A, %mul3A_149 : i32
      %add3A_151 = arith.addi %mul3A_150, %mul3A_2 : i32
      %mul3A_152 = arith.constant 128 : i32
      %mul3A_153 = arith.muli %select_n3A_132, %mul3A_152 : i32
      %add3A_154 = arith.addi %add3A_151, %mul3A_153 : i32
      %dma_wait3A_155 = arith.constant 0 : i32
      %dma_wait3A_156 = arith.constant 0 : i32
      %dma_wait3A_157 = tpu.memref_slice %arg6[%select_n3A_148, %dma_wait3A_155, %dma_wait3A_156] : memref<6x128x128xf32, #tpu.memory_space<vmem>> -> memref<1x128x128xf32, #tpu.memory_space<vmem>>
      %dma_wait3A_158 = tpu.memref_squeeze %dma_wait3A_157 : memref<1x128x128xf32, #tpu.memory_space<vmem>> -> memref<128x128xf32, #tpu.memory_space<vmem>>
      %dma_wait3A_159 = arith.constant 0 : i32
      %dma_wait3A_160 = tpu.memref_slice %arg4[%add3A_154, %dma_wait3A_159] : memref<1638400x128xf32, #tpu.memory_space<hbm>> -> memref<128x128xf32, #tpu.memory_space<hbm>>
      %dma_wait3A_161 = arith.constant 0 : i32
      %dma_wait3A_162 = tpu.memref_slice %arg4[%add3A_154, %dma_wait3A_161] : memref<1638400x128xf32, #tpu.memory_space<hbm>> -> memref<128x128xf32, #tpu.memory_space<hbm>>
      %dma_wait3A_163 = arith.constant 0 : i32
      %dma_wait3A_164 = arith.constant 0 : i32
      %dma_wait3A_165 = tpu.memref_slice %arg6[%select_n3A_148, %dma_wait3A_163, %dma_wait3A_164] : memref<6x128x128xf32, #tpu.memory_space<vmem>> -> memref<1x128x128xf32, #tpu.memory_space<vmem>>
      %dma_wait3A_166 = tpu.memref_squeeze %dma_wait3A_165 : memref<1x128x128xf32, #tpu.memory_space<vmem>> -> memref<128x128xf32, #tpu.memory_space<vmem>>
      tpu.wait_dma2 semaphore(%arg9 : memref<!tpu.dma_semaphore, #tpu.memory_space<semaphore_mem>>) src(%dma_wait3A_166 : memref<128x128xf32, #tpu.memory_space<vmem>>) dst(%dma_wait3A_162 : memref<128x128xf32, #tpu.memory_space<hbm>>)
    }
    %scan3A_101 = arith.constant 2 : i32
    return
  }
}

</mosaic_0001>

<sc_bundles>
// kernel: kernel.3.cloned.1.call-start
scs
__scs_entry_jumppad:
0x0: {  	(pc) =	sbr.rel $0x88, $3  }
0x1: {  	(tag) =	ssettag $0x0;
	lr =	simm.s32 $0x1  }
0x2: {  	[smem:$0x3F9F] =	sst lr;
	_ =	strace $0xD0000000  }
0x3: {  	_ = 	snop  }
0x4: {  	_ = 	snop  }
0x5: {  	_ = 	snop  }
0x6: {  	_ = 	snop  }
0x7: {  	_ = 	snop  }
__scs_overlays_trampoline_lowered:
0x8: {  	[smem:$0x3FAE] =	sst s0  }
0x9: {  	[smem:$0x3FAF] =	sst s1  }
0xa: {  	[smem:$0x3FB0] =	sst s2  }
0xb: {  	[smem:$0x3FB1] =	sst s3  }
0xc: {  	[smem:$0x3FB2] =	sst s4  }
0xd: {  	[smem:$0x3FB3] =	sst s5  }
0xe: {  	[smem:$0x3FB4] =	sst s6  }
0xf: {  	[smem:$0x3FB5] =	sst s7  }
0x10: {  	[smem:$0x3FB6] =	sst s8  }
0x11: {  	[smem:$0x3FB7] =	sst s9;
	s0 =	simm.s32 @!p0 $0x0  }
0x12: {  	s1 =	sld [smem:$0x3F9D];
	s0 =	simm.s32 @p0 $0x1  }
0x13: {  	[smem:$0x3FB8] =	sst s0;
	s0 =	simm.s32 @!p1 $0x0  }
0x14: {  	s2 =	sld [smem:$0x3F9C];
	s0 =	simm.s32 @p1 $0x1  }
0x15: {  	[smem:$0x3FB9] =	sst s0;
	s0 =	simm.s32 @!p2 $0x0  }
0x16: {  	s3 =	sld [smem:$0x3FDB];
	s0 =	simm.s32 @p2 $0x1  }
0x17: {  	s4 =	simm.s32 $0x1BF5;
	[smem:$0x3FBB] =	sst s0  }
0x18: {  	s0 =	sld [smem:$0x3F9E];
	_ =	swait.ge [sflag:s4], $0x0  }
0x19: {  	s7 =	sld [smem:$0x3F9F]  }
0x1a: {  	s8 =	sadd.s32 $0xFFFFE003, lr  }
0x1b: {  	s9 =	sadd.s32 $0xFFFFFEF7, lr;
	s5 =	simm.s32 $0xFFFFFFFF;
	p2 =	slt.u32 s8, $0xFFFFF086  }
0x1c: {  	p1 =	slt.u32 s9, $0xF7A;
	s5 =	simm.s32 @!p2 $0x0  }
0x1d: {  	s5 =	simm.s32 @p1 $0x1;
	p0 =	seq.s32 s7, s2  }
0x1e: {  	s7 =	smul.u32 @!p0 $0xF7A, s2;
	p2 =	seq.s32 @!p0 s5, $0x0  }
0x1f: {  	s9 =	smul.u32 $0xF7A, s1;
	s8 =	simm.s32 @!p0 $0x1BF5;
	p2 =	por !p2, p0  }
0x20: {  	[sflag:s8] =	ssyncset.s32 @!p0 $0xFFFFF086;
	s6 =	sadd.s32 @!p0 s3, s7;
	s7 =	simm.s32 @!p0 $0x108  }
0x21: {  	s3 =	sadd.s32 s3, s9;
	s6 =	sadd.s32 @!p0 $0x88, s6;
	s7 =	simm.s32 @p2 $0x1082  }
0x22: {  	[simem:s7], [sflag:s8] =	dma.local @!p0 [hbm:s6], $0xF7A  }
0x23: {  	s9 =	sor.u32 $0xD0000000, s2;
	s6 =	simm.s32 $0x108;
	_ =	swait.ge @!p0 [sflag:s8], $0x0  }
0x24: {  	s3 =	sadd.s32 $0x88, s3;
	s6 =	simm.s32 @!p1 $0x1082;
	[sflag:s4] =	ssyncset.s32 $0xFFFFF086  }
0x25: {  	[simem:s6], [sflag:s4] =	dma.local [hbm:s3], $0xF7A  }
0x26: {  	[smem:$0x3F9F] =	sst s1;
	(tag) =	ssettag s2;
	_ =	strace s9  }
0x27: {  	s1 =	sld [smem:$0x3FAF]  }
0x28: {  	s2 =	sld [smem:$0x3FB0]  }
0x29: {  	s4 =	sld [smem:$0x3FB2]  }
0x2a: {  	p0 =	seq.s32 s5, $0x0;
	s5 =	sld [smem:$0x3FB3]  }
0x2b: {  	s6 =	sld [smem:$0x3FB4]  }
0x2c: {  	s7 =	sld [smem:$0x3FB5]  }
0x2d: {  	s3 =	simm.s32 $0x108;
	s8 =	sld [smem:$0x3FB6]  }
0x2e: {  	s3 =	simm.s32 @!p0 $0x1082;
	s9 =	sld [smem:$0x3FB7]  }
0x2f: {  	lr =	sadd.s32 s0, s3;
	s0 =	sld [smem:$0x3FAE]  }
0x30: {  	s3 =	sld [smem:$0x3FB1]  }
0x31: {  	[smem:$0x3FBA] =	sst s10  }
0x32: {  	s10 =	sld [smem:$0x3FB8];
	_ =	sdelay $0x3  }
0x33: {  	p0 =	seq.s32 s10, $0x1;
	s10 =	sld [smem:$0x3FBA];
	_ =	sdelay $0x3  }
0x34: {  	[smem:$0x3FBA] =	sst s10  }
0x35: {  	s10 =	sld [smem:$0x3FB9];
	_ =	sdelay $0x3  }
0x36: {  	p1 =	seq.s32 s10, $0x1;
	s10 =	sld [smem:$0x3FBA];
	_ =	sdelay $0x3  }
0x37: {  	[smem:$0x3FBA] =	sst s10  }
0x38: {  	s10 =	sld [smem:$0x3FBB]  }
0x39: {  	_ = 	snop;
	(pc) =	sbr.ind lr, $3  }
0x3a: {  	_ = 	snop  }
0x3b: {  	_ = 	snop  }
0x3c: {  	p2 =	seq.s32 s10, $0x1;
	s10 =	sld [smem:$0x3FBA]  }
0x3d: {  	_ =	shalt  }
0x3e: {  	_ =	shalt  }
0x3f: {  	_ =	shalt  }
0x40: {  	_ =	shalt  }
0x41: {  	_ =	shalt  }
0x42: {  	_ =	shalt  }
0x43: {  	_ =	shalt  }
0x44: {  	_ =	shalt  }
0x45: {  	_ =	shalt  }
0x46: {  	_ =	shalt  }
0x47: {  	_ =	shalt  }
0x48: {  	_ =	shalt  }
0x49: {  	_ =	shalt  }
0x4a: {  	_ =	shalt  }
0x4b: {  	_ =	shalt  }
0x4c: {  	_ =	shalt  }
0x4d: {  	_ =	shalt  }
0x4e: {  	_ =	shalt  }
0x4f: {  	_ =	shalt  }
0x50: {  	_ =	shalt  }
0x51: {  	_ =	shalt  }
0x52: {  	_ =	shalt  }
0x53: {  	_ =	shalt  }
0x54: {  	_ =	shalt  }
0x55: {  	_ =	shalt  }
0x56: {  	_ =	shalt  }
0x57: {  	_ =	shalt  }
0x58: {  	_ =	shalt  }
0x59: {  	_ =	shalt  }
0x5a: {  	_ =	shalt  }
0x5b: {  	_ =	shalt  }
0x5c: {  	_ =	shalt  }
0x5d: {  	_ =	shalt  }
0x5e: {  	_ =	shalt  }
0x5f: {  	_ =	shalt  }
0x60: {  	_ =	shalt  }
0x61: {  	_ =	shalt  }
0x62: {  	_ =	shalt  }
0x63: {  	_ =	shalt  }
0x64: {  	_ =	shalt  }
0x65: {  	_ =	shalt  }
0x66: {  	_ =	shalt  }
0x67: {  	_ =	shalt  }
0x68: {  	_ =	shalt  }
0x69: {  	_ =	shalt  }
0x6a: {  	_ =	shalt  }
0x6b: {  	_ =	shalt  }
0x6c: {  	_ =	shalt  }
0x6d: {  	_ =	shalt  }
0x6e: {  	_ =	shalt  }
0x6f: {  	_ =	shalt  }
0x70: {  	_ =	shalt  }
0x71: {  	_ =	shalt  }
0x72: {  	_ =	shalt  }
0x73: {  	_ =	shalt  }
0x74: {  	_ =	shalt  }
0x75: {  	_ =	shalt  }
0x76: {  	_ =	shalt  }
0x77: {  	_ =	shalt  }
0x78: {  	_ =	shalt  }
0x79: {  	_ =	shalt  }
0x7a: {  	_ =	shalt  }
0x7b: {  	_ =	shalt  }
0x7c: {  	_ =	shalt  }
0x7d: {  	_ =	shalt  }
0x7e: {  	_ =	shalt  }
0x7f: {  	_ =	shalt  }
0x80: {  	_ =	shalt  }
0x81: {  	_ =	shalt  }
0x82: {  	_ =	shalt  }
0x83: {  	_ =	shalt  }
0x84: {  	_ =	shalt  }
0x85: {  	_ =	shalt  }
0x86: {  	_ =	shalt  }
0x87: {  	_ =	shalt  }
.Lfunc_end0:
.L_simem_size_0:
called_computation_lowered:
.L_overlay_start_0:
0x88: {  	s2 =	sld [smem:$0x3FD9]  }
0x89: {  	s3 =	sld [smem:$0x3FFE];
	_ =	sdelay $0x1  }
0x8a: {  	s1 =	srdreg.scid  }
0x8b: {  	s0 =	sand.u32 $0x1, s1  }
0x8c: {  	s17 =	sshll.u32 s0, $0xA;
	s2 =	sadd.s32 s3, s2  }
0x8d: {  	s2 =	sadd.s32 s2, s17  }
0x8e: {  	[smem:$0x3FC6] =	sst s2  }
0x8f: {  	_ = 	snop  }
0x90: {  	s2 =	sld [smem:$0x3FC8]  }
0x91: {  	s18 =	sld [smem:$0x3FD0];
	(tm) =	ssettm $0x1  }
0x92: {  	s4 =	sld [smem:$0x3FFB];
	_ =	sdelay $0x3  }
0x93: {  	_ =	strace s4  }
0x94: {  	s4 =	sld [smem:$0x3FFC];
	_ =	sdelay $0x3  }
0x95: {  	_ =	strace s4  }
0x96: {  	s4 =	sld [smem:$0x3FFD];
	_ =	sdelay $0x3  }
0x97: {  	_ =	strace s4  }
0x98: {  	_ =	strace $0x8FFFFFFF  }
0x99: {  	s19 =	sld [smem:$0x3FDB];
	_ =	sdelay $0x1  }
0x9a: {  	s5 =	simm.s32 $_scs_section_size  }
0x9b: {  	s6 =	simm.s32 $_size__tile_overlayer_lowered;
	s7 =	simm.s32 $_tile_overlayer_lowered  }
0x9c: {  	s22 =	simm.s32 $0x1BFF;
	s21 =	sshll.u32 s7, $0x1;
	s4 =	sadd.s32 s5, s19  }
0x9d: {  	s8 =	simm.s32 $0x0;
	s20 =	sshll.u32 s6, $0x1;
	s6 =	sadd.s32 s21, s4  }
0x9e: {  	[timem:s8], [sflag:s22] =	dma.local [hbm:s6], s20  }
0x9f: {  	_ =	swait.ge [sflag:s22], s20  }
0xa0: {  	s5 =	ssub.s32 $0x0, s20;
	[sflag:s22] =	ssyncset.done $0x0  }
0xa1: {  	[sflag:s22] =	ssyncadd.s32 s5;
	_ =	sdelay $0x1  }
0xa2: {  	s23 =	simm.s32 $0x1B8B  }
0xa3: {  	_ =	swait.ge [sflag:s23], $0x1  }
0xa4: {  	[sflag:s23] =	ssyncset.done $0x0  }
0xa5: {  	s25 =	simm.s32 $0x1B8E;
	s24 =	sld [smem:$0x3FFE];
	[sflag:s23] =	ssyncadd.s32 $0xFFFFFFFF  }
0xa6: {  	s26 =	simm.s32 $execute0_lowered;
	[smem:$0x3FD2] =	sst s25  }
0xa7: {  	s6 =	sshll.u32 s26, $0x1;
	_ =	strace $0x80000046;
	[dreg:$0x1] =	wrdreg $0xFFFFFFFF  }
0xa8: {  	s28 =	simm.s32 $_size_execute0_lowered;
	s4 =	sadd.s32 s4, s6;
	[dreg:$0x0] =	wrdreg $0x0  }
0xa9: {  	s6 =	sshll.u32 s28, $0x1;
	[dreg:$0x2] =	wrdreg s4  }
0xaa: {  	[dreg:$0x3] =	wrdreg s6  }
0xab: {  	[dreg:$0x4] =	wrdreg $0xC0  }
0xac: {  	_ =	task [dreg:s8], $0x5FFFF  }
0xad: {  	[dreg:$0x1] =	wrdreg $0xFFFFFFFF  }
0xae: {  	[dreg:$0x0] =	wrdreg $0x60  }
0xaf: {  	[dreg:$0x2] =	wrdreg s24  }
0xb0: {  	[dreg:$0x3] =	wrdreg s2  }
0xb1: {  	[dreg:$0x4] =	wrdreg s18  }
0xb2: {  	[dreg:$0x5] =	wrdreg $0x9  }
0xb3: {  	_ =	task.clear_ibuf [dreg:s8], $0x6FFFF;
	_ =	strace $0x90000046  }
0xb4: {  	s29 =	simm.s32 $0x9;
	_ =	strace $0x80000048  }
0xb5: {  	_ =	swait.ge [sflag:s29], $0x1  }
0xb6: {  	[sflag:s29] =	ssyncadd.s32 $0xFFFFFFFF  }
0xb7: {  	_ =	strace $0x90000048  }
0xb8: {  	_ =	sfence  }
0xb9: {  	s30 =	sld [smem:$0x0];
	_ =	sdelay $0x2  }
0xba: {  	s31 =	sshll.u32 s1, $0xD;
	s1 =	sshrl.u32 s1, $0x2  }
0xbb: {  	s3 =	sand.u32 $0x4000, s31;
	s1 =	sadd.s32 s1, s30  }
0xbc: {  	s0 =	sor.u32 s3, s0;
	s1 =	sshll.u32 s1, $0x11  }
0xbd: {  	s0 =	sor.u32 s1, s0  }
0xbe: {  	s0 =	sadd.s32 $0x8F2B, s0  }
0xbf: {  	[sflag:s0] =	ssyncadd.remote.s32 $0x1  }
0xc0: {  	_ =	sfence.sel $0xFFFF  }
0xc1: {  	[dreg:$0x0] =	wrdreg $0xFFFFFFFF;
	(pc) =	sbr.abs _section_cstart, $3  }
0xc2: {  	[dreg:$0x1] =	wrdreg $0xFFFFFFFF  }
0xc3: {  	_ =	task.clear_ibuf [dreg:s8], $0x2FFFF;
	_ =	strace $0x9FFFFFFF  }
0xc4: {  	(tm) =	ssettm $0x7FFFFFFF  }
0xc5: {  	_ =	shalt  }
tec
execute0_lowered:
.L_overlay_start_1:
0x0: {  	(tag) =	ssettag $0x1  }
0x1: {  	s0 =	rddreg [dreg:$0x0]  }
0x2: {  	s2 =	rddreg [dreg:$0x1]  }
0x3: {  	s1 =	srdreg.scid;
	s4 =	stileid.u32  }
0x4: {  	s8 =	rddreg [dreg:$0x2];
	s16 =	simm.s32 $0x200;
	s17 =	simm.s32 $0x400  }
0x5: {  	s18 =	simm.s32 $0x600;
	s19 =	simm.s32 $0x80;
	s23 =	simm.s32 $0x1  }
0x6: {  	s28 =	simm.s32 $0x3;
	s1 =	sand.u32 $0x1, s1;
	s3 =	sshll.u32 s4, $0x1  }
0x7: {  	s29 =	simm.s32 $0x2;
	s30 =	simm.s32 $0x0;
	s6 =	sor.u32 s1, s3  }
0x8: {  	s4 =	sshll.u32 s4, $0xA;
	s3 =	simm.s32 $0x0;
	s5 =	sshll.u32 s6, $0x7  }
0x9: {  	s26 =	ssub.s32 $0x2, s1;
	[smem:$0x7FF] =	sst s3;
	s4 =	sor.u32 s4, s5  }
0xa: {  	s7 =	sshrl.u32 s26, $0x1;
	s9 =	sshll.u32 s6, $0xD;
	s4 =	sand.u32 $0x3380, s4  }
.Ltmp0:
0xb: {  	s5 =	sadd.s32 $0x400, s0;
	s31 =	sshrl.u32 s4, $0x3;
	(pc) =	sbr.rel .LBB2_1-.Ltmp0, $4  }
0xc: {  	_ =	strace $0x80000047;
	s0 =	ssub.s32 s26, s7;
	s6 =	sadd.s32 s5, s31  }
0xd: {  	s8 =	sadd.s32 s8, s9;
	s9 =	smax.u32 s0, $0x1;
	s7 =	sadd.s32 $0x800, s6  }
0xe: {  	s10 =	sadd.s32 $0x80, s6;
	s11 =	sadd.s32 $0x100, s6;
	s12 =	sadd.s32 $0x180, s6  }
0xf: {  	s13 =	sadd.s32 $0x880, s6;
	s14 =	sadd.s32 $0x900, s6;
	s15 =	sadd.s32 $0x980, s6  }
.LBB2_9:
0x10: {  	s30 =	sadd.s32 $0x1, s30  }
0x11: {  	_ =	swait.ge [sflag:s28], $0x4000;
	p0 =	sne.s32 s30, s9  }
.Ltmp1:
0x12: {  	[sflag:s28] =	ssyncset.done $0x0;
	(pc) =	sbr.rel @!p0 .LBB2_10-.Ltmp1, $4  }
0x13: {  	[sflag:s28] =	ssyncadd.s32 $0xFFFFC000  }
0x14: {  	_ =	swait.ge [sflag:s28], $0x4000  }
0x15: {  	[sflag:s28] =	ssyncset.done $0x0  }
0x16: {  	[sflag:s28] =	ssyncadd.s32 $0xFFFFC000  }
.LBB2_1:
0x17: {  	[tilespmem:s3], [sflag:$0x1] =	stream.linear.gather [hbm4b:s6+s3], $0x80, $0x38;
	[tilespmem:$0x18800] =	vst v63  }
0x18: {  	_ = 	snop  }
0x19: {  	[tilespmem:s16], [sflag:$0x1] =	stream.linear.gather [hbm4b:s10+s3], $0x80, $0x38;
	[tilespmem:$0x18800] =	vst v63  }
0x1a: {  	_ = 	snop  }
0x1b: {  	[tilespmem:s17], [sflag:$0x1] =	stream.linear.gather [hbm4b:s11+s3], $0x80, $0x38;
	[tilespmem:$0x18800] =	vst v63  }
0x1c: {  	_ = 	snop  }
0x1d: {  	[tilespmem:s18], [sflag:$0x1] =	stream.linear.gather [hbm4b:s12+s3], $0x80, $0x38;
	[tilespmem:$0x18800] =	vst v63  }
0x1e: {  	_ = 	snop  }
0x1f: {  	[tilespmem:s19], [sflag:$0x1] =	stream.linear.gather [hbm4b:s7+s3], $0x80, $0x38;
	[tilespmem:$0x18800] =	vst v63  }
0x20: {  	s0 =	simm.s32 $0x280  }
0x21: {  	[tilespmem:s0], [sflag:$0x1] =	stream.linear.gather [hbm4b:s13+s3], $0x80, $0x38;
	[tilespmem:$0x18800] =	vst v63  }
0x22: {  	s21 =	simm.s32 $0x480  }
0x23: {  	[tilespmem:s21], [sflag:$0x1] =	stream.linear.gather [hbm4b:s14+s3], $0x80, $0x38;
	[tilespmem:$0x18800] =	vst v63  }
0x24: {  	s22 =	simm.s32 $0x680  }
0x25: {  	[tilespmem:s22], [sflag:$0x1] =	stream.linear.gather [hbm4b:s15+s3], $0x80, $0x38;
	[tilespmem:$0x18800] =	vst v63  }
0x26: {  	_ =	swait.ge [sflag:s23], $0x200  }
0x27: {  	[sflag:s23] =	ssyncset.done $0x0  }
0x28: {  	s31 =	simm.s32 $0x800;
	[sflag:s23] =	ssyncadd.s32 $0xFFFFFE00  }
0x29: {  	[tilespmem:s31], [sflag:$0x2] =	stream.indirect.gather [hbm4b:s2+s19], $0x80, s3, s19, $0xb8;
	[tilespmem:$0x18800] =	vst v63  }
0x2a: {  	s24 =	simm.s32 $0x4800  }
0x2b: {  	[tilespmem:s24], [sflag:$0x2] =	stream.indirect.gather [hbm4b:s2+s19], $0x80, s16, s19, $0xb8;
	[tilespmem:$0x18800] =	vst v63  }
.Ltmp2:
0x2c: {  	_ = 	snop;
	(pc) =	sbr.rel .LBB2_2-.Ltmp2, $4  }
0x2d: {  	s25 =	simm.s32 $0x8800  }
0x2e: {  	[tilespmem:s25], [sflag:$0x2] =	stream.indirect.gather [hbm4b:s2+s19], $0x80, s17, s19, $0xb8;
	[tilespmem:$0x18800] =	vst v63  }
0x2f: {  	s26 =	simm.s32 $0xC800;
	s1 =	simm.s32 $0x0;
	s0 =	simm.s32 $0x0  }
0x30: {  	[tilespmem:s26], [sflag:$0x2] =	stream.indirect.gather [hbm4b:s2+s19], $0x80, s18, s19, $0xb8;
	[tilespmem:$0x18800] =	vst v63  }
.LBB2_7:
0x31: {  	s22 =	sadd.s32 $0x4, s0  }
0x32: {  	s24 =	sshrl.u32 s22, $0x2  }
0x33: {  	s25 =	smul.u32 $0xAB, s24;
	_ =	sdelay $0x1  }
0x34: {  	s26 =	smul.u32 $0xAAAB, s22;
	s25 =	sshrl.u32 s25, $0x9  }
0x35: {  	s25 =	sand.u32 $0x7F, s25  }
0x36: {  	s26 =	sshrl.u32 s26, $0x11;
	s25 =	smul.u32 $0x3, s25  }
0x37: {  	s26 =	sand.u32 $0x6, s26  }
0x38: {  	s22 =	sadd.s32 s26, s22;
	s24 =	ssub.s32 s24, s25  }
0x39: {  	s22 =	sshll.u32 s22, $0xE;
	s24 =	sand.u32 $0xFF, s24  }
0x3a: {  	s26 =	sand.u32 $0x600, s1;
	s22 =	sand.u32 $0x1C000, s22;
	s24 =	sshll.u32 s24, $0x7  }
0x3b: {  	s22 =	sor.u32 $0x800, s22;
	s24 =	sor.u32 s24, s26  }
0x3c: {  	[tilespmem:s22], [sflag:$0x2] =	stream.indirect.gather [hbm4b:s2+s19], $0x80, s24, s19, $0xb8;
	[tilespmem:$0x18800] =	vst v63  }
.LBB2_8:
0x3d: {  	s22 =	smulhi.u32 $0xAAAAAAAB, s0;
	_ =	sdelay $0x1  }
0x3e: {  	s0 =	sadd.s32 $0x1, s0;
	s22 =	sshrl.u32 s22, $0x2  }
0x3f: {  	p0 =	sne.s32 s0, $0x190;
	s22 =	smul.u32 $0xFFFA0000, s22  }
.Ltmp3:
0x40: {  	_ =	swait.ge [sflag:s29], $0x4000;
	s21 =	sshll.u32 s21, $0x12;
	(pc) =	sbr.rel @!p0 .LBB2_9-.Ltmp3, $4  }
0x41: {  	s20 =	sshll.u32 s20, $0xB;
	s1 =	sadd.s32 $0x200, s1;
	[sflag:s29] =	ssyncset.done $0x0  }
0x42: {  	s21 =	sadd.s32 s21, s8;
	[sflag:s29] =	ssyncadd.s32 $0xFFFFC000;
	s22 =	sshra.s32 s22, $0x2  }
0x43: {  	s20 =	sadd.s32 s20, s21;
	s22 =	sadd.s32 s22, s31;
	s31 =	sadd.s32 $0x4000, s31  }
0x44: {  	[hbm4b:s20+s3] =	stream.linear.scatter [tilespmem:s22], [sflag:$0x3], $0x4000, $0x38;
	[tilespmem:$0x18800] =	vst v63  }
.LBB2_2:
0x45: {  	s20 =	sand.u32 $0x3, s0  }
0x46: {  	p0 =	sne.s32 s20, $0x0  }
.Ltmp4:
0x47: {  	_ = 	snop;
	(pc) =	sbr.rel @p0 .LBB2_5-.Ltmp4, $2  }
0x48: {  	_ =	sdelay $0x2  }
0x49: {  	s21 =	sshrl.u32 s0, $0x2  }
0x4a: {  	p0 =	sgt.u32 s0, $0x18B  }
0x4b: {  	p1 =	sgt.u32 @!p0 s0, $0x187  }
0x4c: {  	p1 =	por p0, p1  }
.Ltmp5:
0x4d: {  	_ = 	snop;
	(pc) =	sbr.rel @p1 .LBB2_6-.Ltmp5, $4  }
0x4e: {  	s22 =	simm.s32 @!p0 $0x1  }
0x4f: {  	_ =	swait.ge @!p0 [sflag:s22], $0x200  }
0x50: {  	[sflag:s22] =	ssyncset.done @!p0 $0x0  }
0x51: {  	[sflag:s22] =	ssyncadd.s32 @!p0 $0xFFFFFE00  }
0x52: {  	s22 =	sadd.s32 $0x2, s21  }
0x53: {  	s24 =	smul.u32 $0xAB, s22;
	_ =	sdelay $0x1  }
0x54: {  	s24 =	sshrl.u32 s24, $0x9  }
0x55: {  	s24 =	sand.u32 $0x7F, s24  }
0x56: {  	s24 =	smul.u32 $0x3, s24  }
0x57: {  	s25 =	sshll.u32 s22, $0xE  }
0x58: {  	s26 =	sor.u32 s4, s25;
	s22 =	ssub.s32 s22, s24  }
0x59: {  	s24 =	sshrl.u32 s26, $0x3;
	s22 =	sand.u32 $0xFF, s22  }
0x5a: {  	s24 =	sadd.s32 s5, s24;
	s22 =	sshll.u32 s22, $0x7  }
0x5b: {  	[tilespmem:s22], [sflag:$0x1] =	stream.linear.gather [hbm4b:s24+s3], $0x80, $0x38;
	[tilespmem:$0x18800] =	vst v63  }
0x5c: {  	s25 =	sadd.s32 $0x80, s24;
	s26 =	sor.u32 $0x200, s22  }
0x5d: {  	[tilespmem:s26], [sflag:$0x1] =	stream.linear.gather [hbm4b:s25+s3], $0x80, $0x38;
	[tilespmem:$0x18800] =	vst v63  }
0x5e: {  	s25 =	sadd.s32 $0x100, s24;
	s26 =	sor.u32 $0x400, s22  }
0x5f: {  	[tilespmem:s26], [sflag:$0x1] =	stream.linear.gather [hbm4b:s25+s3], $0x80, $0x38;
	[tilespmem:$0x18800] =	vst v63  }
0x60: {  	s24 =	sadd.s32 $0x180, s24;
	s22 =	sor.u32 $0x600, s22  }
0x61: {  	[tilespmem:s22], [sflag:$0x1] =	stream.linear.gather [hbm4b:s24+s3], $0x80, $0x38;
	[tilespmem:$0x18800] =	vst v63  }
.LBB2_5:
0x62: {  	p0 =	slt.u32 s0, $0x2  }
.Ltmp6:
0x63: {  	_ = 	snop;
	(pc) =	sbr.rel @p0 .LBB2_7-.Ltmp6, $1  }
0x64: {  	_ =	sdelay $0x3  }
.LBB2_6:
0x65: {  	p0 =	sgt.u32 s0, $0x18B  }
.Ltmp7:
0x66: {  	_ = 	snop;
	(pc) =	sbr.rel @p0 .LBB2_8-.Ltmp7, $4  }
.Ltmp8:
0x67: {  	_ = 	snop;
	(pc) =	sbr.rel @!p0 .LBB2_7-.Ltmp8, $4  }
0x68: {  	_ =	swait.ge [sflag:s28], $0x4000  }
0x69: {  	[sflag:s28] =	ssyncset.done $0x0  }
0x6a: {  	[sflag:s28] =	ssyncadd.s32 $0xFFFFC000  }
0x6b: {  	_ = 	snop  }
.LBB2_10:
0x6c: {  	_ =	sfence.sel $0x180000  }
0x6d: {  	[bflag:$0x0] =	sbarrier.arrive $0xFFFF  }
0x6e: {  	_ =	strace $0x90000047  }
0x6f: {  	s0 =	stileid.u32;
	[bflag:$0x2] =	sbarrier.arrive $0xFFFF  }
0x70: {  	p0 =	sne.s32 s0, $0x0;
	s0 =	rddreg [dreg:$0x3]  }
0x71: {  	s0 =	sadd.s32 @!p0 $0x100000, s0  }
0x72: {  	[sflag:s0] =	ssyncadd.tile.s32 @!p0 $0x1;
	_ =	shalt  }
.Lfunc_end2:
_tile_overlayer_lowered:
.L_overlay_start_2:
0x73: {  	(tag) =	ssettag $0x2  }
0x74: {  	s0 =	rddreg [dreg:$0x0];
	s2 =	stileid.u32  }
0x75: {  	s1 =	rddreg [dreg:$0x1];
	p0 =	sne.s32 s2, $0x0  }
0x76: {  	s3 =	rddreg [dreg:$0x2];
	[bflag:$0x3] =	sbarrier.arrive $0xFFFF;
	s2 =	simm.s32 @!p0 $0x1C04  }
0x77: {  	[timem:s3], [sflag:s2] =	dma.local @!p0 [hbm:s0], s1  }
0x78: {  	s0 =	simm.s32 @!p0 $0x4  }
0x79: {  	_ =	swait.ge @!p0 [sflag:s0], s1  }
0x7a: {  	s1 =	ssub.s32 @!p0 $0x0, s1;
	[sflag:s0] =	ssyncset.done @!p0 $0x0  }
0x7b: {  	[sflag:s0] =	ssyncadd.s32 @!p0 s1  }
0x7c: {  	[bflag:$0x3] =	sbarrier.arrive $0xFFFF  }
0x7d: {  	_ =	shalt  }

</sc_bundles>
